<compile_context>
chip_gen: v7x
topology: tpu7x:2x2x1
jax: 0.10.2.dev20260603
libtpu: 0.0.44.dev20260713+nightly
codegen_flags: <defaults>
</compile_context>

<pallas_src>
import functools

import jax
import jax.numpy as jnp
from jax import lax
from jax.experimental import pallas as pl
from jax.experimental.pallas import tpu as pltpu
from jax.experimental.pallas import tpu_sc as plsc

N = 10000
D = 128
E = 320000
NP = 10240
NW = 32
ROWS_W = NP // NW
RCH = 80
NRCH = ROWS_W // RCH
EC = 10112
IB = 256


def _okey(bits):
    return bits ^ ((bits >> 31) & jnp.int32(0x7FFFFFFF))


def _rank_body(scol_ref, srow_ref, x_ref, rank_ref, y_ref, krow_ref):
    bi = pl.program_id(0)

    @pl.when(bi == 0)
    def _prep():
        jj0 = lax.broadcasted_iota(jnp.int32, (1, NP), 1)
        kj = _okey(lax.bitcast_convert_type(srow_ref[...], jnp.int32))
        krow_ref[...] = kj
        del jj0

    ki = _okey(lax.bitcast_convert_type(scol_ref[...], jnp.int32))
    krow = krow_ref[...]
    jj = lax.broadcasted_iota(jnp.int32, (1, NP), 1)
    adj = krow - (jj >= bi * IB).astype(jnp.int32)
    main = jnp.sum((adj >= ki).astype(jnp.int32), axis=1, keepdims=True)
    kd = krow_ref[:, pl.ds(bi * IB, IB)]
    jloc = lax.broadcasted_iota(jnp.int32, (1, IB), 1)
    iloc = lax.broadcasted_iota(jnp.int32, (IB, 1), 0)
    corr = jnp.sum(((kd == ki) & (jloc < iloc)).astype(jnp.int32),
                   axis=1, keepdims=True)
    rank_ref[...] = jnp.transpose(main + corr).reshape(IB)
    y_ref[...] = x_ref[...] * jnp.tanh(scol_ref[...])


EU = 4


def _sc_body(rank_hbm, y_hbm, edge_hbm, perm_hbm, nedge_hbm, gated_hbm,
             rank_v, ein_v, eout_v, ridx_v, iota_v, yrows_v,
             sem0, sem1, sem2, sem3):
    wid = lax.axis_index("s") * 2 + lax.axis_index("c")
    rbase = wid * ROWS_W
    ebase = jnp.minimum(wid * EC, E - EC)
    is_last = wid == NW - 1

    h_rank = pltpu.async_copy(rank_hbm, rank_v, sem0)
    h_ein = pltpu.async_copy(edge_hbm.at[:, pl.ds(ebase, EC)], ein_v, sem1)
    hs = []
    for c in range(NRCH):
        sel = jnp.where(is_last, 0, c) if c else 0
        base = rbase + sel * RCH
        hs.append(pltpu.async_copy(y_hbm.at[pl.ds(base, RCH)],
                                   yrows_v.at[pl.ds(c * RCH, RCH)], sem2))
        hs.append(pltpu.async_copy(rank_hbm.at[pl.ds(base, RCH)],
                                   ridx_v.at[c], sem2))
        for k in range(RCH // 16):
            iota_v[c, pl.ds(k * 16, 16)] = (
                lax.iota(jnp.int32, 16) + (base + k * 16))

    for h in hs:
        h.wait()
    hsc = []
    for c in range(NRCH):
        hsc.append(pltpu.async_copy(iota_v.at[c],
                                    perm_hbm.at[ridx_v.at[c]], sem3))
        hsc.append(pltpu.async_copy(yrows_v.at[pl.ds(c * RCH, RCH)],
                                    gated_hbm.at[ridx_v.at[c]], sem3))

    h_rank.wait()
    h_ein.wait()

    def edge_step(i, carry):
        b = i * (16 * EU)
        for u in range(EU):
            idx0 = ein_v[0, pl.ds(b + u * 16, 16)]
            eout_v[0, pl.ds(b + u * 16, 16)] = plsc.load_gather(rank_v, [idx0])
            idx1 = ein_v[1, pl.ds(b + u * 16, 16)]
            eout_v[1, pl.ds(b + u * 16, 16)] = plsc.load_gather(rank_v, [idx1])
        return carry

    lax.fori_loop(0, EC // (16 * EU), edge_step, 0)
    h_eout = pltpu.async_copy(eout_v, nedge_hbm.at[:, pl.ds(ebase, EC)], sem1)

    for h in hsc:
        h.wait()
    h_eout.wait()


@functools.cache
def _sc_kernel_build():
    return functools.partial(
        pl.kernel,
        mesh=plsc.VectorSubcoreMesh(core_axis_name="c", subcore_axis_name="s"),
        compiler_params=pltpu.CompilerParams(needs_layout_passes=False),
        out_type=[
            jax.ShapeDtypeStruct((N,), jnp.int32),
            jax.ShapeDtypeStruct((2, E), jnp.int32),
            jax.ShapeDtypeStruct((N, D), jnp.float32),
        ],
        scratch_types=[
            pltpu.VMEM((NP,), jnp.int32),
            pltpu.VMEM((2, EC), jnp.int32),
            pltpu.VMEM((2, EC), jnp.int32),
            pltpu.VMEM((NRCH, RCH), jnp.int32),
            pltpu.VMEM((NRCH, RCH), jnp.int32),
            pltpu.VMEM((ROWS_W, D), jnp.float32),
            pltpu.SemaphoreType.DMA,
            pltpu.SemaphoreType.DMA,
            pltpu.SemaphoreType.DMA,
            pltpu.SemaphoreType.DMA,
        ],
    )(_sc_body)


def kernel(x, edge_index, epoch, W, b):
    del epoch
    x = x.astype(jnp.float32)
    edt = edge_index.dtype

    scores = (x @ W.T + b).reshape(-1)
    scores = scores / jnp.linalg.norm(W)
    s_pad = jnp.full((NP,), -jnp.inf, jnp.float32).at[:N].set(scores)

    nxb = (N - 1) // IB + 1
    rank, y = pl.pallas_call(
        _rank_body,
        grid=(NP // IB,),
        in_specs=[
            pl.BlockSpec((IB, 1), lambda i: (i, 0)),
            pl.BlockSpec((1, NP), lambda i: (0, 0)),
            pl.BlockSpec((IB, D), lambda i: (jnp.minimum(i, nxb - 1), 0)),
        ],
        out_specs=[
            pl.BlockSpec((IB,), lambda i: (i,)),
            pl.BlockSpec((IB, D), lambda i: (i, 0)),
        ],
        out_shape=[
            jax.ShapeDtypeStruct((NP,), jnp.int32),
            jax.ShapeDtypeStruct((NP, D), jnp.float32),
        ],
        scratch_shapes=[pltpu.VMEM((1, NP), jnp.int32)],
    )(s_pad.reshape(NP, 1), s_pad.reshape(1, NP), x)

    perm, new_edge_index, gated = _sc_kernel_build()(
        rank, y, edge_index.astype(jnp.int32))
    return gated, new_edge_index.astype(edt), scores, perm

# --- scband reference (transcript-rebuilt; emitter-appended) ---
"""Pipeline reference for scband-skip-pool-full-25890062861063 (READ-ONLY COPY).

The authoritative reference and input builder live on the scoring server;
editing this copy changes nothing except your own understanding.
"""

import jax, jax.numpy as jnp
import numpy as np

N = 10000
D = 128
E = 320000

def setup_inputs(seed: int = 0) -> dict:
    key = jax.random.key(seed)
    k1, k2, k3, k4 = jax.random.split(key, 4)
    x = jax.random.normal(k1, (N, D), dtype=jnp.float32)
    edge_index = jax.random.randint(k2, (2, E), 0, N).astype(jnp.int64)
    # TopKPool score layer: torch.nn.Linear(in_channels, 1) -> weight [1, D], bias [1]
    W = jax.random.normal(k3, (1, D), dtype=jnp.float32) * 0.05
    b = jnp.zeros((1,), dtype=jnp.float32)
    epoch = 5
    return {"x": x, "edge_index": edge_index, "epoch": epoch, "W": W, "b": b}

def reference(x, edge_index, epoch, W, b):
    # SKipPool_Full.__init__ sets init_ratio=0.999999 then (>=0.999) -> 1.0,
    # so the TopKPool scorer keeps ALL nodes but ranks them by score (top-k masking
    # degenerates to a full descending sort within the single batch graph).
    # --- TopKPool scorer (Dropout p=0 -> Identity) ---
    scores = (x @ W.T + b).reshape(-1)
    scores = scores / jnp.linalg.norm(W)  # vector_norm(weight)
    # topk(scores, ratio=1.0, batch=zeros): perm = argsort descending (all kept)
    perm = jnp.argsort(-scores)
    x_p = jnp.take(x, perm, axis=0)
    # filter_adj with all nodes kept: relabel node ids by their rank
    mask = jnp.zeros((N,), dtype=edge_index.dtype).at[perm].set(
        jnp.arange(N, dtype=edge_index.dtype))
    new_edge_index = jnp.take(mask, edge_index)
    # scores_ranked = non_linearity(scores[perm]) (non_linearity = tanh)
    scores_ranked = jnp.tanh(jnp.take(scores, perm)).reshape(-1, 1)
    # gated ranked features (x[perm] modulated by ranked scores)
    gated = x_p * scores_ranked
    return gated, new_edge_index, scores, perm

if __name__ == "__main__":
    import jax
    _d = setup_inputs()
    print(jax.jit(kernel)(*tuple(_d.values())))

</pallas_src>

<mosaic_0001>
#map = affine_map<(d0, d1) -> (0)>
#map1 = affine_map<(d0, d1) -> (0, 0)>
module attributes {stable_mosaic.version = 14 : i64} {
  func.func @_sc_body(%arg0: i32, %arg1: i32, %arg2: memref<10240xi32, #tpu.memory_space<hbm>>, %arg3: memref<10240x128xf32, #tpu.memory_space<hbm>>, %arg4: memref<2x320000xi32, #tpu.memory_space<hbm>>, %arg5: memref<10000xi32, #tpu.memory_space<hbm>>, %arg6: memref<2x320000xi32, #tpu.memory_space<hbm>>, %arg7: memref<10000x128xf32, #tpu.memory_space<hbm>>, %arg8: memref<10240xi32, #tpu.memory_space<vmem>>, %arg9: memref<2x10112xi32, #tpu.memory_space<vmem>>, %arg10: memref<2x10112xi32, #tpu.memory_space<vmem>>, %arg11: memref<4x80xi32, #tpu.memory_space<vmem>>, %arg12: memref<4x80xi32, #tpu.memory_space<vmem>>, %arg13: memref<320x128xf32, #tpu.memory_space<vmem>>, %arg14: memref<!tpu.dma_semaphore, #tpu.memory_space<semaphore_mem>>, %arg15: memref<!tpu.dma_semaphore, #tpu.memory_space<semaphore_mem>>, %arg16: memref<!tpu.dma_semaphore, #tpu.memory_space<semaphore_mem>>, %arg17: memref<!tpu.dma_semaphore, #tpu.memory_space<semaphore_mem>>) attributes {dimension_semantics = [#tpu.dimension_semantics<core_parallel>, #tpu.dimension_semantics<subcore_parallel>], iteration_bounds = array<i64: 2, 16>, scalar_prefetch = 0 : i64, scratch_operands = 10 : i64, tpu.core_type = #tpu.core_type<sc_vector_subcore>, window_params = [{transform_indices = #map}, {transform_indices = #map1}, {transform_indices = #map1}, {transform_indices = #map}, {transform_indices = #map1}, {transform_indices = #map1}]} {
    %mul3A = arith.constant 2 : i32
    %mul3A_0 = arith.muli %arg1, %mul3A : i32
    %add3A = arith.addi %mul3A_0, %arg0 : i32
    %mul3A_1 = arith.constant 320 : i32
    %mul3A_2 = arith.muli %add3A, %mul3A_1 : i32
    %mul3A_3 = arith.constant 10112 : i32
    %mul3A_4 = arith.muli %add3A, %mul3A_3 : i32
    %min3A = arith.constant 309888 : i32
    %min3A_5 = arith.minsi %mul3A_4, %min3A : i32
    %eq3A = arith.constant 31 : i32
    %eq3A_6 = arith.cmpi eq, %add3A, %eq3A : i32
    tpu.enqueue_dma source(%arg2 : memref<10240xi32, #tpu.memory_space<hbm>>) target(%arg8 : memref<10240xi32, #tpu.memory_space<vmem>>) target_semaphore(%arg14 : memref<!tpu.dma_semaphore, #tpu.memory_space<semaphore_mem>>)
    %dma_start3A = arith.constant 0 : i32
    %dma_start3A_7 = tpu.memref_slice %arg4[%dma_start3A, %min3A_5] : memref<2x320000xi32, #tpu.memory_space<hbm>> -> memref<2x10112xi32, #tpu.memory_space<hbm>>
    %dma_start3A_8 = arith.constant 0 : i32
    %dma_start3A_9 = tpu.memref_slice %arg4[%dma_start3A_8, %min3A_5] : memref<2x320000xi32, #tpu.memory_space<hbm>> -> memref<2x10112xi32, #tpu.memory_space<hbm>>
    tpu.enqueue_dma source(%dma_start3A_9 : memref<2x10112xi32, #tpu.memory_space<hbm>>) target(%arg9 : memref<2x10112xi32, #tpu.memory_space<vmem>>) target_semaphore(%arg15 : memref<!tpu.dma_semaphore, #tpu.memory_space<semaphore_mem>>)
    %add3A_10 = arith.constant 0 : i32
    %add3A_11 = arith.addi %mul3A_2, %add3A_10 : i32
    %dma_start3A_12 = arith.constant 0 : i32
    %dma_start3A_13 = arith.constant 0 : i32
    %dma_start3A_14 = tpu.memref_slice %arg13[%dma_start3A_12, %dma_start3A_13] : memref<320x128xf32, #tpu.memory_space<vmem>> -> memref<80x128xf32, #tpu.memory_space<vmem>>
    %dma_start3A_15 = arith.constant 0 : i32
    %dma_start3A_16 = tpu.memref_slice %arg3[%add3A_11, %dma_start3A_15] : memref<10240x128xf32, #tpu.memory_space<hbm>> -> memref<80x128xf32, #tpu.memory_space<hbm>>
    %dma_start3A_17 = arith.constant 0 : i32
    %dma_start3A_18 = arith.constant 0 : i32
    %dma_start3A_19 = tpu.memref_slice %arg13[%dma_start3A_17, %dma_start3A_18] : memref<320x128xf32, #tpu.memory_space<vmem>> -> memref<80x128xf32, #tpu.memory_space<vmem>>
    %dma_start3A_20 = arith.constant 0 : i32
    %dma_start3A_21 = tpu.memref_slice %arg3[%add3A_11, %dma_start3A_20] : memref<10240x128xf32, #tpu.memory_space<hbm>> -> memref<80x128xf32, #tpu.memory_space<hbm>>
    tpu.enqueue_dma source(%dma_start3A_21 : memref<80x128xf32, #tpu.memory_space<hbm>>) target(%dma_start3A_19 : memref<80x128xf32, #tpu.memory_space<vmem>>) target_semaphore(%arg16 : memref<!tpu.dma_semaphore, #tpu.memory_space<semaphore_mem>>)
    %dma_start3A_22 = arith.constant 0 : i32
    %dma_start3A_23 = arith.constant 0 : i32
    %dma_start3A_24 = tpu.memref_slice %arg11[%dma_start3A_22, %dma_start3A_23] : memref<4x80xi32, #tpu.memory_space<vmem>> -> memref<1x80xi32, #tpu.memory_space<vmem>>
    %dma_start3A_25 = tpu.memref_squeeze %dma_start3A_24 : memref<1x80xi32, #tpu.memory_space<vmem>> -> memref<80xi32, #tpu.memory_space<vmem>>
    %dma_start3A_26 = tpu.memref_slice %arg2[%add3A_11] : memref<10240xi32, #tpu.memory_space<hbm>> -> memref<80xi32, #tpu.memory_space<hbm>>
    %dma_start3A_27 = arith.constant 0 : i32
    %dma_start3A_28 = tpu.memref_slice %arg11[%dma_start3A_22, %dma_start3A_27] : memref<4x80xi32, #tpu.memory_space<vmem>> -> memref<1x80xi32, #tpu.memory_space<vmem>>
    %dma_start3A_29 = tpu.memref_squeeze %dma_start3A_28 : memref<1x80xi32, #tpu.memory_space<vmem>> -> memref<80xi32, #tpu.memory_space<vmem>>
    %dma_start3A_30 = tpu.memref_slice %arg2[%add3A_11] : memref<10240xi32, #tpu.memory_space<hbm>> -> memref<80xi32, #tpu.memory_space<hbm>>
    tpu.enqueue_dma source(%dma_start3A_30 : memref<80xi32, #tpu.memory_space<hbm>>) target(%dma_start3A_29 : memref<80xi32, #tpu.memory_space<vmem>>) target_semaphore(%arg16 : memref<!tpu.dma_semaphore, #tpu.memory_space<semaphore_mem>>)
    %iota3A = tpu.iota {dimensions = array<i32: 0>} : vector<16xi32>
    %add3A_31 = arith.constant 0 : i32
    %add3A_32 = arith.addi %add3A_11, %add3A_31 : i32
    %add3A_33 = vector.broadcast %add3A_32 : i32 to vector<16xi32>
    %add3A_34 = arith.addi %iota3A, %add3A_33 : vector<16xi32>
    %swap3A = arith.constant 0 : i32
    %swap3A_35 = arith.index_cast %swap3A : i32 to index
    %swap3A_36 = arith.constant 0 : index
    %swap3A_37 = tpu.vector_load %arg12[%swap3A_35, %swap3A_36] {strides = array<i32>} : memref<4x80xi32, #tpu.memory_space<vmem>>, vector<16xi32>,
    tpu.vector_store %arg12[%swap3A_35, %swap3A_36], %add3A_34 {strides = array<i32>} : memref<4x80xi32, #tpu.memory_space<vmem>>, vector<16xi32>,
    %iota3A_38 = tpu.iota {dimensions = array<i32: 0>} : vector<16xi32>
    %add3A_39 = arith.constant 16 : i32
    %add3A_40 = arith.addi %add3A_11, %add3A_39 : i32
    %add3A_41 = vector.broadcast %add3A_40 : i32 to vector<16xi32>
    %add3A_42 = arith.addi %iota3A_38, %add3A_41 : vector<16xi32>
    %swap3A_43 = arith.constant 0 : i32
    %swap3A_44 = arith.index_cast %swap3A_43 : i32 to index
    %swap3A_45 = arith.constant 16 : index
    %swap3A_46 = tpu.vector_load %arg12[%swap3A_44, %swap3A_45] {strides = array<i32>} : memref<4x80xi32, #tpu.memory_space<vmem>>, vector<16xi32>,
    tpu.vector_store %arg12[%swap3A_44, %swap3A_45], %add3A_42 {strides = array<i32>} : memref<4x80xi32, #tpu.memory_space<vmem>>, vector<16xi32>,
    %iota3A_47 = tpu.iota {dimensions = array<i32: 0>} : vector<16xi32>
    %add3A_48 = arith.constant 32 : i32
    %add3A_49 = arith.addi %add3A_11, %add3A_48 : i32
    %add3A_50 = vector.broadcast %add3A_49 : i32 to vector<16xi32>
    %add3A_51 = arith.addi %iota3A_47, %add3A_50 : vector<16xi32>
    %swap3A_52 = arith.constant 0 : i32
    %swap3A_53 = arith.index_cast %swap3A_52 : i32 to index
    %swap3A_54 = arith.constant 32 : index
    %swap3A_55 = tpu.vector_load %arg12[%swap3A_53, %swap3A_54] {strides = array<i32>} : memref<4x80xi32, #tpu.memory_space<vmem>>, vector<16xi32>,
    tpu.vector_store %arg12[%swap3A_53, %swap3A_54], %add3A_51 {strides = array<i32>} : memref<4x80xi32, #tpu.memory_space<vmem>>, vector<16xi32>,
    %iota3A_56 = tpu.iota {dimensions = array<i32: 0>} : vector<16xi32>
    %add3A_57 = arith.constant 48 : i32
    %add3A_58 = arith.addi %add3A_11, %add3A_57 : i32
    %add3A_59 = vector.broadcast %add3A_58 : i32 to vector<16xi32>
    %add3A_60 = arith.addi %iota3A_56, %add3A_59 : vector<16xi32>
    %swap3A_61 = arith.constant 0 : i32
    %swap3A_62 = arith.index_cast %swap3A_61 : i32 to index
    %swap3A_63 = arith.constant 48 : index
    %swap3A_64 = tpu.vector_load %arg12[%swap3A_62, %swap3A_63] {strides = array<i32>} : memref<4x80xi32, #tpu.memory_space<vmem>>, vector<16xi32>,
    tpu.vector_store %arg12[%swap3A_62, %swap3A_63], %add3A_60 {strides = array<i32>} : memref<4x80xi32, #tpu.memory_space<vmem>>, vector<16xi32>,
    %iota3A_65 = tpu.iota {dimensions = array<i32: 0>} : vector<16xi32>
    %add3A_66 = arith.constant 64 : i32
    %add3A_67 = arith.addi %add3A_11, %add3A_66 : i32
    %add3A_68 = vector.broadcast %add3A_67 : i32 to vector<16xi32>
    %add3A_69 = arith.addi %iota3A_65, %add3A_68 : vector<16xi32>
    %swap3A_70 = arith.constant 0 : i32
    %swap3A_71 = arith.index_cast %swap3A_70 : i32 to index
    %swap3A_72 = arith.constant 64 : index
    %swap3A_73 = tpu.vector_load %arg12[%swap3A_71, %swap3A_72] {strides = array<i32>} : memref<4x80xi32, #tpu.memory_space<vmem>>, vector<16xi32>,
    tpu.vector_store %arg12[%swap3A_71, %swap3A_72], %add3A_69 {strides = array<i32>} : memref<4x80xi32, #tpu.memory_space<vmem>>, vector<16xi32>,
    %jit3A = arith.constant 0 : i32
    %jit3A_74 = arith.constant 1 : i32
    %select_n3A = arith.select %eq3A_6, %jit3A, %jit3A_74 : i32
    %mul3A_75 = arith.constant 80 : i32
    %mul3A_76 = arith.muli %select_n3A, %mul3A_75 : i32
    %add3A_77 = arith.addi %mul3A_2, %mul3A_76 : i32
    %dma_start3A_78 = arith.constant 80 : i32
    %dma_start3A_79 = arith.constant 0 : i32
    %dma_start3A_80 = tpu.memref_slice %arg13[%dma_start3A_78, %dma_start3A_79] : memref<320x128xf32, #tpu.memory_space<vmem>> -> memref<80x128xf32, #tpu.memory_space<vmem>>
    %dma_start3A_81 = arith.constant 0 : i32
    %dma_start3A_82 = tpu.memref_slice %arg3[%add3A_77, %dma_start3A_81] : memref<10240x128xf32, #tpu.memory_space<hbm>> -> memref<80x128xf32, #tpu.memory_space<hbm>>
    %dma_start3A_83 = arith.constant 80 : i32
    %dma_start3A_84 = arith.constant 0 : i32
    %dma_start3A_85 = tpu.memref_slice %arg13[%dma_start3A_83, %dma_start3A_84] : memref<320x128xf32, #tpu.memory_space<vmem>> -> memref<80x128xf32, #tpu.memory_space<vmem>>
    %dma_start3A_86 = arith.constant 0 : i32
    %dma_start3A_87 = tpu.memref_slice %arg3[%add3A_77, %dma_start3A_86] : memref<10240x128xf32, #tpu.memory_space<hbm>> -> memref<80x128xf32, #tpu.memory_space<hbm>>
    tpu.enqueue_dma source(%dma_start3A_87 : memref<80x128xf32, #tpu.memory_space<hbm>>) target(%dma_start3A_85 : memref<80x128xf32, #tpu.memory_space<vmem>>) target_semaphore(%arg16 : memref<!tpu.dma_semaphore, #tpu.memory_space<semaphore_mem>>)
    %dma_start3A_88 = arith.constant 1 : i32
    %dma_start3A_89 = arith.constant 0 : i32
    %dma_start3A_90 = tpu.memref_slice %arg11[%dma_start3A_88, %dma_start3A_89] : memref<4x80xi32, #tpu.memory_space<vmem>> -> memref<1x80xi32, #tpu.memory_space<vmem>>
    %dma_start3A_91 = tpu.memref_squeeze %dma_start3A_90 : memref<1x80xi32, #tpu.memory_space<vmem>> -> memref<80xi32, #tpu.memory_space<vmem>>
    %dma_start3A_92 = tpu.memref_slice %arg2[%add3A_77] : memref<10240xi32, #tpu.memory_space<hbm>> -> memref<80xi32, #tpu.memory_space<hbm>>
    %dma_start3A_93 = arith.constant 0 : i32
    %dma_start3A_94 = tpu.memref_slice %arg11[%dma_start3A_88, %dma_start3A_93] : memref<4x80xi32, #tpu.memory_space<vmem>> -> memref<1x80xi32, #tpu.memory_space<vmem>>
    %dma_start3A_95 = tpu.memref_squeeze %dma_start3A_94 : memref<1x80xi32, #tpu.memory_space<vmem>> -> memref<80xi32, #tpu.memory_space<vmem>>
    %dma_start3A_96 = tpu.memref_slice %arg2[%add3A_77] : memref<10240xi32, #tpu.memory_space<hbm>> -> memref<80xi32, #tpu.memory_space<hbm>>
    tpu.enqueue_dma source(%dma_start3A_96 : memref<80xi32, #tpu.memory_space<hbm>>) target(%dma_start3A_95 : memref<80xi32, #tpu.memory_space<vmem>>) target_semaphore(%arg16 : memref<!tpu.dma_semaphore, #tpu.memory_space<semaphore_mem>>)
    %iota3A_97 = tpu.iota {dimensions = array<i32: 0>} : vector<16xi32>
    %add3A_98 = arith.constant 0 : i32
    %add3A_99 = arith.addi %add3A_77, %add3A_98 : i32
    %add3A_100 = vector.broadcast %add3A_99 : i32 to vector<16xi32>
    %add3A_101 = arith.addi %iota3A_97, %add3A_100 : vector<16xi32>
    %swap3A_102 = arith.constant 1 : i32
    %swap3A_103 = arith.index_cast %swap3A_102 : i32 to index
    %swap3A_104 = arith.constant 0 : index
    %swap3A_105 = tpu.vector_load %arg12[%swap3A_103, %swap3A_104] {strides = array<i32>} : memref<4x80xi32, #tpu.memory_space<vmem>>, vector<16xi32>,
    tpu.vector_store %arg12[%swap3A_103, %swap3A_104], %add3A_101 {strides = array<i32>} : memref<4x80xi32, #tpu.memory_space<vmem>>, vector<16xi32>,
    %iota3A_106 = tpu.iota {dimensions = array<i32: 0>} : vector<16xi32>
    %add3A_107 = arith.constant 16 : i32
    %add3A_108 = arith.addi %add3A_77, %add3A_107 : i32
    %add3A_109 = vector.broadcast %add3A_108 : i32 to vector<16xi32>
    %add3A_110 = arith.addi %iota3A_106, %add3A_109 : vector<16xi32>
    %swap3A_111 = arith.constant 1 : i32
    %swap3A_112 = arith.index_cast %swap3A_111 : i32 to index
    %swap3A_113 = arith.constant 16 : index
    %swap3A_114 = tpu.vector_load %arg12[%swap3A_112, %swap3A_113] {strides = array<i32>} : memref<4x80xi32, #tpu.memory_space<vmem>>, vector<16xi32>,
    tpu.vector_store %arg12[%swap3A_112, %swap3A_113], %add3A_110 {strides = array<i32>} : memref<4x80xi32, #tpu.memory_space<vmem>>, vector<16xi32>,
    %iota3A_115 = tpu.iota {dimensions = array<i32: 0>} : vector<16xi32>
    %add3A_116 = arith.constant 32 : i32
    %add3A_117 = arith.addi %add3A_77, %add3A_116 : i32
    %add3A_118 = vector.broadcast %add3A_117 : i32 to vector<16xi32>
    %add3A_119 = arith.addi %iota3A_115, %add3A_118 : vector<16xi32>
    %swap3A_120 = arith.constant 1 : i32
    %swap3A_121 = arith.index_cast %swap3A_120 : i32 to index
    %swap3A_122 = arith.constant 32 : index
    %swap3A_123 = tpu.vector_load %arg12[%swap3A_121, %swap3A_122] {strides = array<i32>} : memref<4x80xi32, #tpu.memory_space<vmem>>, vector<16xi32>,
    tpu.vector_store %arg12[%swap3A_121, %swap3A_122], %add3A_119 {strides = array<i32>} : memref<4x80xi32, #tpu.memory_space<vmem>>, vector<16xi32>,
    %iota3A_124 = tpu.iota {dimensions = array<i32: 0>} : vector<16xi32>
    %add3A_125 = arith.constant 48 : i32
    %add3A_126 = arith.addi %add3A_77, %add3A_125 : i32
    %add3A_127 = vector.broadcast %add3A_126 : i32 to vector<16xi32>
    %add3A_128 = arith.addi %iota3A_124, %add3A_127 : vector<16xi32>
    %swap3A_129 = arith.constant 1 : i32
    %swap3A_130 = arith.index_cast %swap3A_129 : i32 to index
    %swap3A_131 = arith.constant 48 : index
    %swap3A_132 = tpu.vector_load %arg12[%swap3A_130, %swap3A_131] {strides = array<i32>} : memref<4x80xi32, #tpu.memory_space<vmem>>, vector<16xi32>,
    tpu.vector_store %arg12[%swap3A_130, %swap3A_131], %add3A_128 {strides = array<i32>} : memref<4x80xi32, #tpu.memory_space<vmem>>, vector<16xi32>,
    %iota3A_133 = tpu.iota {dimensions = array<i32: 0>} : vector<16xi32>
    %add3A_134 = arith.constant 64 : i32
    %add3A_135 = arith.addi %add3A_77, %add3A_134 : i32
    %add3A_136 = vector.broadcast %add3A_135 : i32 to vector<16xi32>
    %add3A_137 = arith.addi %iota3A_133, %add3A_136 : vector<16xi32>
    %swap3A_138 = arith.constant 1 : i32
    %swap3A_139 = arith.index_cast %swap3A_138 : i32 to index
    %swap3A_140 = arith.constant 64 : index
    %swap3A_141 = tpu.vector_load %arg12[%swap3A_139, %swap3A_140] {strides = array<i32>} : memref<4x80xi32, #tpu.memory_space<vmem>>, vector<16xi32>,
    tpu.vector_store %arg12[%swap3A_139, %swap3A_140], %add3A_137 {strides = array<i32>} : memref<4x80xi32, #tpu.memory_space<vmem>>, vector<16xi32>,
    %jit3A_142 = arith.constant 0 : i32
    %jit3A_143 = arith.constant 2 : i32
    %select_n3A_144 = arith.select %eq3A_6, %jit3A_142, %jit3A_143 : i32
    %mul3A_145 = arith.constant 80 : i32
    %mul3A_146 = arith.muli %select_n3A_144, %mul3A_145 : i32
    %add3A_147 = arith.addi %mul3A_2, %mul3A_146 : i32
    %dma_start3A_148 = arith.constant 160 : i32
    %dma_start3A_149 = arith.constant 0 : i32
    %dma_start3A_150 = tpu.memref_slice %arg13[%dma_start3A_148, %dma_start3A_149] : memref<320x128xf32, #tpu.memory_space<vmem>> -> memref<80x128xf32, #tpu.memory_space<vmem>>
    %dma_start3A_151 = arith.constant 0 : i32
    %dma_start3A_152 = tpu.memref_slice %arg3[%add3A_147, %dma_start3A_151] : memref<10240x128xf32, #tpu.memory_space<hbm>> -> memref<80x128xf32, #tpu.memory_space<hbm>>
    %dma_start3A_153 = arith.constant 160 : i32
    %dma_start3A_154 = arith.constant 0 : i32
    %dma_start3A_155 = tpu.memref_slice %arg13[%dma_start3A_153, %dma_start3A_154] : memref<320x128xf32, #tpu.memory_space<vmem>> -> memref<80x128xf32, #tpu.memory_space<vmem>>
    %dma_start3A_156 = arith.constant 0 : i32
    %dma_start3A_157 = tpu.memref_slice %arg3[%add3A_147, %dma_start3A_156] : memref<10240x128xf32, #tpu.memory_space<hbm>> -> memref<80x128xf32, #tpu.memory_space<hbm>>
    tpu.enqueue_dma source(%dma_start3A_157 : memref<80x128xf32, #tpu.memory_space<hbm>>) target(%dma_start3A_155 : memref<80x128xf32, #tpu.memory_space<vmem>>) target_semaphore(%arg16 : memref<!tpu.dma_semaphore, #tpu.memory_space<semaphore_mem>>)
    %dma_start3A_158 = arith.constant 2 : i32
    %dma_start3A_159 = arith.constant 0 : i32
    %dma_start3A_160 = tpu.memref_slice %arg11[%dma_start3A_158, %dma_start3A_159] : memref<4x80xi32, #tpu.memory_space<vmem>> -> memref<1x80xi32, #tpu.memory_space<vmem>>
    %dma_start3A_161 = tpu.memref_squeeze %dma_start3A_160 : memref<1x80xi32, #tpu.memory_space<vmem>> -> memref<80xi32, #tpu.memory_space<vmem>>
    %dma_start3A_162 = tpu.memref_slice %arg2[%add3A_147] : memref<10240xi32, #tpu.memory_space<hbm>> -> memref<80xi32, #tpu.memory_space<hbm>>
    %dma_start3A_163 = arith.constant 0 : i32
    %dma_start3A_164 = tpu.memref_slice %arg11[%dma_start3A_158, %dma_start3A_163] : memref<4x80xi32, #tpu.memory_space<vmem>> -> memref<1x80xi32, #tpu.memory_space<vmem>>
    %dma_start3A_165 = tpu.memref_squeeze %dma_start3A_164 : memref<1x80xi32, #tpu.memory_space<vmem>> -> memref<80xi32, #tpu.memory_space<vmem>>
    %dma_start3A_166 = tpu.memref_slice %arg2[%add3A_147] : memref<10240xi32, #tpu.memory_space<hbm>> -> memref<80xi32, #tpu.memory_space<hbm>>
    tpu.enqueue_dma source(%dma_start3A_166 : memref<80xi32, #tpu.memory_space<hbm>>) target(%dma_start3A_165 : memref<80xi32, #tpu.memory_space<vmem>>) target_semaphore(%arg16 : memref<!tpu.dma_semaphore, #tpu.memory_space<semaphore_mem>>)
    %iota3A_167 = tpu.iota {dimensions = array<i32: 0>} : vector<16xi32>
    %add3A_168 = arith.constant 0 : i32
    %add3A_169 = arith.addi %add3A_147, %add3A_168 : i32
    %add3A_170 = vector.broadcast %add3A_169 : i32 to vector<16xi32>
    %add3A_171 = arith.addi %iota3A_167, %add3A_170 : vector<16xi32>
    %swap3A_172 = arith.constant 2 : i32
    %swap3A_173 = arith.index_cast %swap3A_172 : i32 to index
    %swap3A_174 = arith.constant 0 : index
    %swap3A_175 = tpu.vector_load %arg12[%swap3A_173, %swap3A_174] {strides = array<i32>} : memref<4x80xi32, #tpu.memory_space<vmem>>, vector<16xi32>,
    tpu.vector_store %arg12[%swap3A_173, %swap3A_174], %add3A_171 {strides = array<i32>} : memref<4x80xi32, #tpu.memory_space<vmem>>, vector<16xi32>,
    %iota3A_176 = tpu.iota {dimensions = array<i32: 0>} : vector<16xi32>
    %add3A_177 = arith.constant 16 : i32
    %add3A_178 = arith.addi %add3A_147, %add3A_177 : i32
    %add3A_179 = vector.broadcast %add3A_178 : i32 to vector<16xi32>
    %add3A_180 = arith.addi %iota3A_176, %add3A_179 : vector<16xi32>
    %swap3A_181 = arith.constant 2 : i32
    %swap3A_182 = arith.index_cast %swap3A_181 : i32 to index
    %swap3A_183 = arith.constant 16 : index
    %swap3A_184 = tpu.vector_load %arg12[%swap3A_182, %swap3A_183] {strides = array<i32>} : memref<4x80xi32, #tpu.memory_space<vmem>>, vector<16xi32>,
    tpu.vector_store %arg12[%swap3A_182, %swap3A_183], %add3A_180 {strides = array<i32>} : memref<4x80xi32, #tpu.memory_space<vmem>>, vector<16xi32>,
    %iota3A_185 = tpu.iota {dimensions = array<i32: 0>} : vector<16xi32>
    %add3A_186 = arith.constant 32 : i32
    %add3A_187 = arith.addi %add3A_147, %add3A_186 : i32
    %add3A_188 = vector.broadcast %add3A_187 : i32 to vector<16xi32>
    %add3A_189 = arith.addi %iota3A_185, %add3A_188 : vector<16xi32>
    %swap3A_190 = arith.constant 2 : i32
    %swap3A_191 = arith.index_cast %swap3A_190 : i32 to index
    %swap3A_192 = arith.constant 32 : index
    %swap3A_193 = tpu.vector_load %arg12[%swap3A_191, %swap3A_192] {strides = array<i32>} : memref<4x80xi32, #tpu.memory_space<vmem>>, vector<16xi32>,
    tpu.vector_store %arg12[%swap3A_191, %swap3A_192], %add3A_189 {strides = array<i32>} : memref<4x80xi32, #tpu.memory_space<vmem>>, vector<16xi32>,
    %iota3A_194 = tpu.iota {dimensions = array<i32: 0>} : vector<16xi32>
    %add3A_195 = arith.constant 48 : i32
    %add3A_196 = arith.addi %add3A_147, %add3A_195 : i32
    %add3A_197 = vector.broadcast %add3A_196 : i32 to vector<16xi32>
    %add3A_198 = arith.addi %iota3A_194, %add3A_197 : vector<16xi32>
    %swap3A_199 = arith.constant 2 : i32
    %swap3A_200 = arith.index_cast %swap3A_199 : i32 to index
    %swap3A_201 = arith.constant 48 : index
    %swap3A_202 = tpu.vector_load %arg12[%swap3A_200, %swap3A_201] {strides = array<i32>} : memref<4x80xi32, #tpu.memory_space<vmem>>, vector<16xi32>,
    tpu.vector_store %arg12[%swap3A_200, %swap3A_201], %add3A_198 {strides = array<i32>} : memref<4x80xi32, #tpu.memory_space<vmem>>, vector<16xi32>,
    %iota3A_203 = tpu.iota {dimensions = array<i32: 0>} : vector<16xi32>
    %add3A_204 = arith.constant 64 : i32
    %add3A_205 = arith.addi %add3A_147, %add3A_204 : i32
    %add3A_206 = vector.broadcast %add3A_205 : i32 to vector<16xi32>
    %add3A_207 = arith.addi %iota3A_203, %add3A_206 : vector<16xi32>
    %swap3A_208 = arith.constant 2 : i32
    %swap3A_209 = arith.index_cast %swap3A_208 : i32 to index
    %swap3A_210 = arith.constant 64 : index
    %swap3A_211 = tpu.vector_load %arg12[%swap3A_209, %swap3A_210] {strides = array<i32>} : memref<4x80xi32, #tpu.memory_space<vmem>>, vector<16xi32>,
    tpu.vector_store %arg12[%swap3A_209, %swap3A_210], %add3A_207 {strides = array<i32>} : memref<4x80xi32, #tpu.memory_space<vmem>>, vector<16xi32>,
    %jit3A_212 = arith.constant 0 : i32
    %jit3A_213 = arith.constant 3 : i32
    %select_n3A_214 = arith.select %eq3A_6, %jit3A_212, %jit3A_213 : i32
    %mul3A_215 = arith.constant 80 : i32
    %mul3A_216 = arith.muli %select_n3A_214, %mul3A_215 : i32
    %add3A_217 = arith.addi %mul3A_2, %mul3A_216 : i32
    %dma_start3A_218 = arith.constant 240 : i32
    %dma_start3A_219 = arith.constant 0 : i32
    %dma_start3A_220 = tpu.memref_slice %arg13[%dma_start3A_218, %dma_start3A_219] : memref<320x128xf32, #tpu.memory_space<vmem>> -> memref<80x128xf32, #tpu.memory_space<vmem>>
    %dma_start3A_221 = arith.constant 0 : i32
    %dma_start3A_222 = tpu.memref_slice %arg3[%add3A_217, %dma_start3A_221] : memref<10240x128xf32, #tpu.memory_space<hbm>> -> memref<80x128xf32, #tpu.memory_space<hbm>>
    %dma_start3A_223 = arith.constant 240 : i32
    %dma_start3A_224 = arith.constant 0 : i32
    %dma_start3A_225 = tpu.memref_slice %arg13[%dma_start3A_223, %dma_start3A_224] : memref<320x128xf32, #tpu.memory_space<vmem>> -> memref<80x128xf32, #tpu.memory_space<vmem>>
    %dma_start3A_226 = arith.constant 0 : i32
    %dma_start3A_227 = tpu.memref_slice %arg3[%add3A_217, %dma_start3A_226] : memref<10240x128xf32, #tpu.memory_space<hbm>> -> memref<80x128xf32, #tpu.memory_space<hbm>>
    tpu.enqueue_dma source(%dma_start3A_227 : memref<80x128xf32, #tpu.memory_space<hbm>>) target(%dma_start3A_225 : memref<80x128xf32, #tpu.memory_space<vmem>>) target_semaphore(%arg16 : memref<!tpu.dma_semaphore, #tpu.memory_space<semaphore_mem>>)
    %dma_start3A_228 = arith.constant 3 : i32
    %dma_start3A_229 = arith.constant 0 : i32
    %dma_start3A_230 = tpu.memref_slice %arg11[%dma_start3A_228, %dma_start3A_229] : memref<4x80xi32, #tpu.memory_space<vmem>> -> memref<1x80xi32, #tpu.memory_space<vmem>>
    %dma_start3A_231 = tpu.memref_squeeze %dma_start3A_230 : memref<1x80xi32, #tpu.memory_space<vmem>> -> memref<80xi32, #tpu.memory_space<vmem>>
    %dma_start3A_232 = tpu.memref_slice %arg2[%add3A_217] : memref<10240xi32, #tpu.memory_space<hbm>> -> memref<80xi32, #tpu.memory_space<hbm>>
    %dma_start3A_233 = arith.constant 0 : i32
    %dma_start3A_234 = tpu.memref_slice %arg11[%dma_start3A_228, %dma_start3A_233] : memref<4x80xi32, #tpu.memory_space<vmem>> -> memref<1x80xi32, #tpu.memory_space<vmem>>
    %dma_start3A_235 = tpu.memref_squeeze %dma_start3A_234 : memref<1x80xi32, #tpu.memory_space<vmem>> -> memref<80xi32, #tpu.memory_space<vmem>>
    %dma_start3A_236 = tpu.memref_slice %arg2[%add3A_217] : memref<10240xi32, #tpu.memory_space<hbm>> -> memref<80xi32, #tpu.memory_space<hbm>>
    tpu.enqueue_dma source(%dma_start3A_236 : memref<80xi32, #tpu.memory_space<hbm>>) target(%dma_start3A_235 : memref<80xi32, #tpu.memory_space<vmem>>) target_semaphore(%arg16 : memref<!tpu.dma_semaphore, #tpu.memory_space<semaphore_mem>>)
    %iota3A_237 = tpu.iota {dimensions = array<i32: 0>} : vector<16xi32>
    %add3A_238 = arith.constant 0 : i32
    %add3A_239 = arith.addi %add3A_217, %add3A_238 : i32
    %add3A_240 = vector.broadcast %add3A_239 : i32 to vector<16xi32>
    %add3A_241 = arith.addi %iota3A_237, %add3A_240 : vector<16xi32>
    %swap3A_242 = arith.constant 3 : i32
    %swap3A_243 = arith.index_cast %swap3A_242 : i32 to index
    %swap3A_244 = arith.constant 0 : index
    %swap3A_245 = tpu.vector_load %arg12[%swap3A_243, %swap3A_244] {strides = array<i32>} : memref<4x80xi32, #tpu.memory_space<vmem>>, vector<16xi32>,
    tpu.vector_store %arg12[%swap3A_243, %swap3A_244], %add3A_241 {strides = array<i32>} : memref<4x80xi32, #tpu.memory_space<vmem>>, vector<16xi32>,
    %iota3A_246 = tpu.iota {dimensions = array<i32: 0>} : vector<16xi32>
    %add3A_247 = arith.constant 16 : i32
    %add3A_248 = arith.addi %add3A_217, %add3A_247 : i32
    %add3A_249 = vector.broadcast %add3A_248 : i32 to vector<16xi32>
    %add3A_250 = arith.addi %iota3A_246, %add3A_249 : vector<16xi32>
    %swap3A_251 = arith.constant 3 : i32
    %swap3A_252 = arith.index_cast %swap3A_251 : i32 to index
    %swap3A_253 = arith.constant 16 : index
    %swap3A_254 = tpu.vector_load %arg12[%swap3A_252, %swap3A_253] {strides = array<i32>} : memref<4x80xi32, #tpu.memory_space<vmem>>, vector<16xi32>,
    tpu.vector_store %arg12[%swap3A_252, %swap3A_253], %add3A_250 {strides = array<i32>} : memref<4x80xi32, #tpu.memory_space<vmem>>, vector<16xi32>,
    %iota3A_255 = tpu.iota {dimensions = array<i32: 0>} : vector<16xi32>
    %add3A_256 = arith.constant 32 : i32
    %add3A_257 = arith.addi %add3A_217, %add3A_256 : i32
    %add3A_258 = vector.broadcast %add3A_257 : i32 to vector<16xi32>
    %add3A_259 = arith.addi %iota3A_255, %add3A_258 : vector<16xi32>
    %swap3A_260 = arith.constant 3 : i32
    %swap3A_261 = arith.index_cast %swap3A_260 : i32 to index
    %swap3A_262 = arith.constant 32 : index
    %swap3A_263 = tpu.vector_load %arg12[%swap3A_261, %swap3A_262] {strides = array<i32>} : memref<4x80xi32, #tpu.memory_space<vmem>>, vector<16xi32>,
    tpu.vector_store %arg12[%swap3A_261, %swap3A_262], %add3A_259 {strides = array<i32>} : memref<4x80xi32, #tpu.memory_space<vmem>>, vector<16xi32>,
    %iota3A_264 = tpu.iota {dimensions = array<i32: 0>} : vector<16xi32>
    %add3A_265 = arith.constant 48 : i32
    %add3A_266 = arith.addi %add3A_217, %add3A_265 : i32
    %add3A_267 = vector.broadcast %add3A_266 : i32 to vector<16xi32>
    %add3A_268 = arith.addi %iota3A_264, %add3A_267 : vector<16xi32>
    %swap3A_269 = arith.constant 3 : i32
    %swap3A_270 = arith.index_cast %swap3A_269 : i32 to index
    %swap3A_271 = arith.constant 48 : index
    %swap3A_272 = tpu.vector_load %arg12[%swap3A_270, %swap3A_271] {strides = array<i32>} : memref<4x80xi32, #tpu.memory_space<vmem>>, vector<16xi32>,
    tpu.vector_store %arg12[%swap3A_270, %swap3A_271], %add3A_268 {strides = array<i32>} : memref<4x80xi32, #tpu.memory_space<vmem>>, vector<16xi32>,
    %iota3A_273 = tpu.iota {dimensions = array<i32: 0>} : vector<16xi32>
    %add3A_274 = arith.constant 64 : i32
    %add3A_275 = arith.addi %add3A_217, %add3A_274 : i32
    %add3A_276 = vector.broadcast %add3A_275 : i32 to vector<16xi32>
    %add3A_277 = arith.addi %iota3A_273, %add3A_276 : vector<16xi32>
    %swap3A_278 = arith.constant 3 : i32
    %swap3A_279 = arith.index_cast %swap3A_278 : i32 to index
    %swap3A_280 = arith.constant 64 : index
    %swap3A_281 = tpu.vector_load %arg12[%swap3A_279, %swap3A_280] {strides = array<i32>} : memref<4x80xi32, #tpu.memory_space<vmem>>, vector<16xi32>,
    tpu.vector_store %arg12[%swap3A_279, %swap3A_280], %add3A_277 {strides = array<i32>} : memref<4x80xi32, #tpu.memory_space<vmem>>, vector<16xi32>,
    %dma_wait3A = arith.constant 0 : i32
    %dma_wait3A_282 = arith.constant 0 : i32
    %dma_wait3A_283 = tpu.memref_slice %arg13[%dma_wait3A, %dma_wait3A_282] : memref<320x128xf32, #tpu.memory_space<vmem>> -> memref<80x128xf32, #tpu.memory_space<vmem>>
    %dma_wait3A_284 = arith.constant 0 : i32
    %dma_wait3A_285 = tpu.memref_slice %arg3[%add3A_11, %dma_wait3A_284] : memref<10240x128xf32, #tpu.memory_space<hbm>> -> memref<80x128xf32, #tpu.memory_space<hbm>>
    %dma_wait3A_286 = arith.constant 0 : i32
    %dma_wait3A_287 = arith.constant 0 : i32
    %dma_wait3A_288 = tpu.memref_slice %arg13[%dma_wait3A_286, %dma_wait3A_287] : memref<320x128xf32, #tpu.memory_space<vmem>> -> memref<80x128xf32, #tpu.memory_space<vmem>>
    %dma_wait3A_289 = arith.constant 0 : i32
    %dma_wait3A_290 = tpu.memref_slice %arg3[%add3A_11, %dma_wait3A_289] : memref<10240x128xf32, #tpu.memory_space<hbm>> -> memref<80x128xf32, #tpu.memory_space<hbm>>
    tpu.wait_dma2 semaphore(%arg16 : memref<!tpu.dma_semaphore, #tpu.memory_space<semaphore_mem>>) src(%dma_wait3A_290 : memref<80x128xf32, #tpu.memory_space<hbm>>) dst(%dma_wait3A_288 : memref<80x128xf32, #tpu.memory_space<vmem>>)
    %dma_wait3A_291 = arith.constant 0 : i32
    %dma_wait3A_292 = arith.constant 0 : i32
    %dma_wait3A_293 = tpu.memref_slice %arg11[%dma_wait3A_291, %dma_wait3A_292] : memref<4x80xi32, #tpu.memory_space<vmem>> -> memref<1x80xi32, #tpu.memory_space<vmem>>
    %dma_wait3A_294 = tpu.memref_squeeze %dma_wait3A_293 : memref<1x80xi32, #tpu.memory_space<vmem>> -> memref<80xi32, #tpu.memory_space<vmem>>
    %dma_wait3A_295 = tpu.memref_slice %arg2[%add3A_11] : memref<10240xi32, #tpu.memory_space<hbm>> -> memref<80xi32, #tpu.memory_space<hbm>>
    %dma_wait3A_296 = arith.constant 0 : i32
    %dma_wait3A_297 = tpu.memref_slice %arg11[%dma_wait3A_291, %dma_wait3A_296] : memref<4x80xi32, #tpu.memory_space<vmem>> -> memref<1x80xi32, #tpu.memory_space<vmem>>
    %dma_wait3A_298 = tpu.memref_squeeze %dma_wait3A_297 : memref<1x80xi32, #tpu.memory_space<vmem>> -> memref<80xi32, #tpu.memory_space<vmem>>
    %dma_wait3A_299 = tpu.memref_slice %arg2[%add3A_11] : memref<10240xi32, #tpu.memory_space<hbm>> -> memref<80xi32, #tpu.memory_space<hbm>>
    tpu.wait_dma2 semaphore(%arg16 : memref<!tpu.dma_semaphore, #tpu.memory_space<semaphore_mem>>) src(%dma_wait3A_299 : memref<80xi32, #tpu.memory_space<hbm>>) dst(%dma_wait3A_298 : memref<80xi32, #tpu.memory_space<vmem>>)
    %dma_wait3A_300 = arith.constant 80 : i32
    %dma_wait3A_301 = arith.constant 0 : i32
    %dma_wait3A_302 = tpu.memref_slice %arg13[%dma_wait3A_300, %dma_wait3A_301] : memref<320x128xf32, #tpu.memory_space<vmem>> -> memref<80x128xf32, #tpu.memory_space<vmem>>
    %dma_wait3A_303 = arith.constant 0 : i32
    %dma_wait3A_304 = tpu.memref_slice %arg3[%add3A_77, %dma_wait3A_303] : memref<10240x128xf32, #tpu.memory_space<hbm>> -> memref<80x128xf32, #tpu.memory_space<hbm>>
    %dma_wait3A_305 = arith.constant 80 : i32
    %dma_wait3A_306 = arith.constant 0 : i32
    %dma_wait3A_307 = tpu.memref_slice %arg13[%dma_wait3A_305, %dma_wait3A_306] : memref<320x128xf32, #tpu.memory_space<vmem>> -> memref<80x128xf32, #tpu.memory_space<vmem>>
    %dma_wait3A_308 = arith.constant 0 : i32
    %dma_wait3A_309 = tpu.memref_slice %arg3[%add3A_77, %dma_wait3A_308] : memref<10240x128xf32, #tpu.memory_space<hbm>> -> memref<80x128xf32, #tpu.memory_space<hbm>>
    tpu.wait_dma2 semaphore(%arg16 : memref<!tpu.dma_semaphore, #tpu.memory_space<semaphore_mem>>) src(%dma_wait3A_309 : memref<80x128xf32, #tpu.memory_space<hbm>>) dst(%dma_wait3A_307 : memref<80x128xf32, #tpu.memory_space<vmem>>)
    %dma_wait3A_310 = arith.constant 1 : i32
    %dma_wait3A_311 = arith.constant 0 : i32
    %dma_wait3A_312 = tpu.memref_slice %arg11[%dma_wait3A_310, %dma_wait3A_311] : memref<4x80xi32, #tpu.memory_space<vmem>> -> memref<1x80xi32, #tpu.memory_space<vmem>>
    %dma_wait3A_313 = tpu.memref_squeeze %dma_wait3A_312 : memref<1x80xi32, #tpu.memory_space<vmem>> -> memref<80xi32, #tpu.memory_space<vmem>>
    %dma_wait3A_314 = tpu.memref_slice %arg2[%add3A_77] : memref<10240xi32, #tpu.memory_space<hbm>> -> memref<80xi32, #tpu.memory_space<hbm>>
    %dma_wait3A_315 = arith.constant 0 : i32
    %dma_wait3A_316 = tpu.memref_slice %arg11[%dma_wait3A_310, %dma_wait3A_315] : memref<4x80xi32, #tpu.memory_space<vmem>> -> memref<1x80xi32, #tpu.memory_space<vmem>>
    %dma_wait3A_317 = tpu.memref_squeeze %dma_wait3A_316 : memref<1x80xi32, #tpu.memory_space<vmem>> -> memref<80xi32, #tpu.memory_space<vmem>>
    %dma_wait3A_318 = tpu.memref_slice %arg2[%add3A_77] : memref<10240xi32, #tpu.memory_space<hbm>> -> memref<80xi32, #tpu.memory_space<hbm>>
    tpu.wait_dma2 semaphore(%arg16 : memref<!tpu.dma_semaphore, #tpu.memory_space<semaphore_mem>>) src(%dma_wait3A_318 : memref<80xi32, #tpu.memory_space<hbm>>) dst(%dma_wait3A_317 : memref<80xi32, #tpu.memory_space<vmem>>)
    %dma_wait3A_319 = arith.constant 160 : i32
    %dma_wait3A_320 = arith.constant 0 : i32
    %dma_wait3A_321 = tpu.memref_slice %arg13[%dma_wait3A_319, %dma_wait3A_320] : memref<320x128xf32, #tpu.memory_space<vmem>> -> memref<80x128xf32, #tpu.memory_space<vmem>>
    %dma_wait3A_322 = arith.constant 0 : i32
    %dma_wait3A_323 = tpu.memref_slice %arg3[%add3A_147, %dma_wait3A_322] : memref<10240x128xf32, #tpu.memory_space<hbm>> -> memref<80x128xf32, #tpu.memory_space<hbm>>
    %dma_wait3A_324 = arith.constant 160 : i32
    %dma_wait3A_325 = arith.constant 0 : i32
    %dma_wait3A_326 = tpu.memref_slice %arg13[%dma_wait3A_324, %dma_wait3A_325] : memref<320x128xf32, #tpu.memory_space<vmem>> -> memref<80x128xf32, #tpu.memory_space<vmem>>
    %dma_wait3A_327 = arith.constant 0 : i32
    %dma_wait3A_328 = tpu.memref_slice %arg3[%add3A_147, %dma_wait3A_327] : memref<10240x128xf32, #tpu.memory_space<hbm>> -> memref<80x128xf32, #tpu.memory_space<hbm>>
    tpu.wait_dma2 semaphore(%arg16 : memref<!tpu.dma_semaphore, #tpu.memory_space<semaphore_mem>>) src(%dma_wait3A_328 : memref<80x128xf32, #tpu.memory_space<hbm>>) dst(%dma_wait3A_326 : memref<80x128xf32, #tpu.memory_space<vmem>>)
    %dma_wait3A_329 = arith.constant 2 : i32
    %dma_wait3A_330 = arith.constant 0 : i32
    %dma_wait3A_331 = tpu.memref_slice %arg11[%dma_wait3A_329, %dma_wait3A_330] : memref<4x80xi32, #tpu.memory_space<vmem>> -> memref<1x80xi32, #tpu.memory_space<vmem>>
    %dma_wait3A_332 = tpu.memref_squeeze %dma_wait3A_331 : memref<1x80xi32, #tpu.memory_space<vmem>> -> memref<80xi32, #tpu.memory_space<vmem>>
    %dma_wait3A_333 = tpu.memref_slice %arg2[%add3A_147] : memref<10240xi32, #tpu.memory_space<hbm>> -> memref<80xi32, #tpu.memory_space<hbm>>
    %dma_wait3A_334 = arith.constant 0 : i32
    %dma_wait3A_335 = tpu.memref_slice %arg11[%dma_wait3A_329, %dma_wait3A_334] : memref<4x80xi32, #tpu.memory_space<vmem>> -> memref<1x80xi32, #tpu.memory_space<vmem>>
    %dma_wait3A_336 = tpu.memref_squeeze %dma_wait3A_335 : memref<1x80xi32, #tpu.memory_space<vmem>> -> memref<80xi32, #tpu.memory_space<vmem>>
    %dma_wait3A_337 = tpu.memref_slice %arg2[%add3A_147] : memref<10240xi32, #tpu.memory_space<hbm>> -> memref<80xi32, #tpu.memory_space<hbm>>
    tpu.wait_dma2 semaphore(%arg16 : memref<!tpu.dma_semaphore, #tpu.memory_space<semaphore_mem>>) src(%dma_wait3A_337 : memref<80xi32, #tpu.memory_space<hbm>>) dst(%dma_wait3A_336 : memref<80xi32, #tpu.memory_space<vmem>>)
    %dma_wait3A_338 = arith.constant 240 : i32
    %dma_wait3A_339 = arith.constant 0 : i32
    %dma_wait3A_340 = tpu.memref_slice %arg13[%dma_wait3A_338, %dma_wait3A_339] : memref<320x128xf32, #tpu.memory_space<vmem>> -> memref<80x128xf32, #tpu.memory_space<vmem>>
    %dma_wait3A_341 = arith.constant 0 : i32
    %dma_wait3A_342 = tpu.memref_slice %arg3[%add3A_217, %dma_wait3A_341] : memref<10240x128xf32, #tpu.memory_space<hbm>> -> memref<80x128xf32, #tpu.memory_space<hbm>>
    %dma_wait3A_343 = arith.constant 240 : i32
    %dma_wait3A_344 = arith.constant 0 : i32
    %dma_wait3A_345 = tpu.memref_slice %arg13[%dma_wait3A_343, %dma_wait3A_344] : memref<320x128xf32, #tpu.memory_space<vmem>> -> memref<80x128xf32, #tpu.memory_space<vmem>>
    %dma_wait3A_346 = arith.constant 0 : i32
    %dma_wait3A_347 = tpu.memref_slice %arg3[%add3A_217, %dma_wait3A_346] : memref<10240x128xf32, #tpu.memory_space<hbm>> -> memref<80x128xf32, #tpu.memory_space<hbm>>
    tpu.wait_dma2 semaphore(%arg16 : memref<!tpu.dma_semaphore, #tpu.memory_space<semaphore_mem>>) src(%dma_wait3A_347 : memref<80x128xf32, #tpu.memory_space<hbm>>) dst(%dma_wait3A_345 : memref<80x128xf32, #tpu.memory_space<vmem>>)
    %dma_wait3A_348 = arith.constant 3 : i32
    %dma_wait3A_349 = arith.constant 0 : i32
    %dma_wait3A_350 = tpu.memref_slice %arg11[%dma_wait3A_348, %dma_wait3A_349] : memref<4x80xi32, #tpu.memory_space<vmem>> -> memref<1x80xi32, #tpu.memory_space<vmem>>
    %dma_wait3A_351 = tpu.memref_squeeze %dma_wait3A_350 : memref<1x80xi32, #tpu.memory_space<vmem>> -> memref<80xi32, #tpu.memory_space<vmem>>
    %dma_wait3A_352 = tpu.memref_slice %arg2[%add3A_217] : memref<10240xi32, #tpu.memory_space<hbm>> -> memref<80xi32, #tpu.memory_space<hbm>>
    %dma_wait3A_353 = arith.constant 0 : i32
    %dma_wait3A_354 = tpu.memref_slice %arg11[%dma_wait3A_348, %dma_wait3A_353] : memref<4x80xi32, #tpu.memory_space<vmem>> -> memref<1x80xi32, #tpu.memory_space<vmem>>
    %dma_wait3A_355 = tpu.memref_squeeze %dma_wait3A_354 : memref<1x80xi32, #tpu.memory_space<vmem>> -> memref<80xi32, #tpu.memory_space<vmem>>
    %dma_wait3A_356 = tpu.memref_slice %arg2[%add3A_217] : memref<10240xi32, #tpu.memory_space<hbm>> -> memref<80xi32, #tpu.memory_space<hbm>>
    tpu.wait_dma2 semaphore(%arg16 : memref<!tpu.dma_semaphore, #tpu.memory_space<semaphore_mem>>) src(%dma_wait3A_356 : memref<80xi32, #tpu.memory_space<hbm>>) dst(%dma_wait3A_355 : memref<80xi32, #tpu.memory_space<vmem>>)
    %dma_start3A_357 = arith.constant 0 : i32
    %dma_start3A_358 = arith.constant 0 : i32
    %dma_start3A_359 = arith.constant 0 : i32
    %dma_start3A_360 = tpu.memref_slice %arg12[%dma_start3A_357, %dma_start3A_359] : memref<4x80xi32, #tpu.memory_space<vmem>> -> memref<1x80xi32, #tpu.memory_space<vmem>>
    %dma_start3A_361 = tpu.memref_squeeze %dma_start3A_360 : memref<1x80xi32, #tpu.memory_space<vmem>> -> memref<80xi32, #tpu.memory_space<vmem>>
    %dma_start3A_362 = arith.constant 0 : i32
    %dma_start3A_363 = tpu.memref_slice %arg11[%dma_start3A_358, %dma_start3A_362] : memref<4x80xi32, #tpu.memory_space<vmem>> -> memref<1x80xi32, #tpu.memory_space<vmem>>
    %dma_start3A_364 = tpu.memref_squeeze %dma_start3A_363 : memref<1x80xi32, #tpu.memory_space<vmem>> -> memref<80xi32, #tpu.memory_space<vmem>>
    %dma_start3A_365 = arith.constant 0 : i32
    %dma_start3A_366 = tpu.memref_slice %arg5[%dma_start3A_365] : memref<10000xi32, #tpu.memory_space<hbm>> -> memref<10000xi32, #tpu.memory_space<hbm>>
    tpu.enqueue_indirect_dma source(%dma_start3A_361 : memref<80xi32, #tpu.memory_space<vmem>>) target(%dma_start3A_366 : memref<10000xi32, #tpu.memory_space<hbm>>) offsets(%dma_start3A_364 : memref<80xi32, #tpu.memory_space<vmem>>) semaphore(%arg17 : memref<!tpu.dma_semaphore, #tpu.memory_space<semaphore_mem>>)
    %dma_start3A_367 = arith.constant 0 : i32
    %dma_start3A_368 = arith.constant 0 : i32
    %dma_start3A_369 = arith.constant 0 : i32
    %dma_start3A_370 = tpu.memref_slice %arg13[%dma_start3A_368, %dma_start3A_369] : memref<320x128xf32, #tpu.memory_space<vmem>> -> memref<80x128xf32, #tpu.memory_space<vmem>>
    %dma_start3A_371 = arith.constant 0 : i32
    %dma_start3A_372 = tpu.memref_slice %arg11[%dma_start3A_367, %dma_start3A_371] : memref<4x80xi32, #tpu.memory_space<vmem>> -> memref<1x80xi32, #tpu.memory_space<vmem>>
    %dma_start3A_373 = tpu.memref_squeeze %dma_start3A_372 : memref<1x80xi32, #tpu.memory_space<vmem>> -> memref<80xi32, #tpu.memory_space<vmem>>
    %dma_start3A_374 = arith.constant 0 : i32
    %dma_start3A_375 = arith.constant 0 : i32
    %dma_start3A_376 = tpu.memref_slice %arg7[%dma_start3A_374, %dma_start3A_375] : memref<10000x128xf32, #tpu.memory_space<hbm>> -> memref<10000x128xf32, #tpu.memory_space<hbm>>
    tpu.enqueue_indirect_dma source(%dma_start3A_370 : memref<80x128xf32, #tpu.memory_space<vmem>>) target(%dma_start3A_376 : memref<10000x128xf32, #tpu.memory_space<hbm>>) offsets(%dma_start3A_373 : memref<80xi32, #tpu.memory_space<vmem>>) semaphore(%arg17 : memref<!tpu.dma_semaphore, #tpu.memory_space<semaphore_mem>>)
    %dma_start3A_377 = arith.constant 1 : i32
    %dma_start3A_378 = arith.constant 1 : i32
    %dma_start3A_379 = arith.constant 0 : i32
    %dma_start3A_380 = tpu.memref_slice %arg12[%dma_start3A_377, %dma_start3A_379] : memref<4x80xi32, #tpu.memory_space<vmem>> -> memref<1x80xi32, #tpu.memory_space<vmem>>
    %dma_start3A_381 = tpu.memref_squeeze %dma_start3A_380 : memref<1x80xi32, #tpu.memory_space<vmem>> -> memref<80xi32, #tpu.memory_space<vmem>>
    %dma_start3A_382 = arith.constant 0 : i32
    %dma_start3A_383 = tpu.memref_slice %arg11[%dma_start3A_378, %dma_start3A_382] : memref<4x80xi32, #tpu.memory_space<vmem>> -> memref<1x80xi32, #tpu.memory_space<vmem>>
    %dma_start3A_384 = tpu.memref_squeeze %dma_start3A_383 : memref<1x80xi32, #tpu.memory_space<vmem>> -> memref<80xi32, #tpu.memory_space<vmem>>
    %dma_start3A_385 = arith.constant 0 : i32
    %dma_start3A_386 = tpu.memref_slice %arg5[%dma_start3A_385] : memref<10000xi32, #tpu.memory_space<hbm>> -> memref<10000xi32, #tpu.memory_space<hbm>>
    tpu.enqueue_indirect_dma source(%dma_start3A_381 : memref<80xi32, #tpu.memory_space<vmem>>) target(%dma_start3A_386 : memref<10000xi32, #tpu.memory_space<hbm>>) offsets(%dma_start3A_384 : memref<80xi32, #tpu.memory_space<vmem>>) semaphore(%arg17 : memref<!tpu.dma_semaphore, #tpu.memory_space<semaphore_mem>>)
    %dma_start3A_387 = arith.constant 1 : i32
    %dma_start3A_388 = arith.constant 80 : i32
    %dma_start3A_389 = arith.constant 0 : i32
    %dma_start3A_390 = tpu.memref_slice %arg13[%dma_start3A_388, %dma_start3A_389] : memref<320x128xf32, #tpu.memory_space<vmem>> -> memref<80x128xf32, #tpu.memory_space<vmem>>
    %dma_start3A_391 = arith.constant 0 : i32
    %dma_start3A_392 = tpu.memref_slice %arg11[%dma_start3A_387, %dma_start3A_391] : memref<4x80xi32, #tpu.memory_space<vmem>> -> memref<1x80xi32, #tpu.memory_space<vmem>>
    %dma_start3A_393 = tpu.memref_squeeze %dma_start3A_392 : memref<1x80xi32, #tpu.memory_space<vmem>> -> memref<80xi32, #tpu.memory_space<vmem>>
    %dma_start3A_394 = arith.constant 0 : i32
    %dma_start3A_395 = arith.constant 0 : i32
    %dma_start3A_396 = tpu.memref_slice %arg7[%dma_start3A_394, %dma_start3A_395] : memref<10000x128xf32, #tpu.memory_space<hbm>> -> memref<10000x128xf32, #tpu.memory_space<hbm>>
    tpu.enqueue_indirect_dma source(%dma_start3A_390 : memref<80x128xf32, #tpu.memory_space<vmem>>) target(%dma_start3A_396 : memref<10000x128xf32, #tpu.memory_space<hbm>>) offsets(%dma_start3A_393 : memref<80xi32, #tpu.memory_space<vmem>>) semaphore(%arg17 : memref<!tpu.dma_semaphore, #tpu.memory_space<semaphore_mem>>)
    %dma_start3A_397 = arith.constant 2 : i32
    %dma_start3A_398 = arith.constant 2 : i32
    %dma_start3A_399 = arith.constant 0 : i32
    %dma_start3A_400 = tpu.memref_slice %arg12[%dma_start3A_397, %dma_start3A_399] : memref<4x80xi32, #tpu.memory_space<vmem>> -> memref<1x80xi32, #tpu.memory_space<vmem>>
    %dma_start3A_401 = tpu.memref_squeeze %dma_start3A_400 : memref<1x80xi32, #tpu.memory_space<vmem>> -> memref<80xi32, #tpu.memory_space<vmem>>
    %dma_start3A_402 = arith.constant 0 : i32
    %dma_start3A_403 = tpu.memref_slice %arg11[%dma_start3A_398, %dma_start3A_402] : memref<4x80xi32, #tpu.memory_space<vmem>> -> memref<1x80xi32, #tpu.memory_space<vmem>>
    %dma_start3A_404 = tpu.memref_squeeze %dma_start3A_403 : memref<1x80xi32, #tpu.memory_space<vmem>> -> memref<80xi32, #tpu.memory_space<vmem>>
    %dma_start3A_405 = arith.constant 0 : i32
    %dma_start3A_406 = tpu.memref_slice %arg5[%dma_start3A_405] : memref<10000xi32, #tpu.memory_space<hbm>> -> memref<10000xi32, #tpu.memory_space<hbm>>
    tpu.enqueue_indirect_dma source(%dma_start3A_401 : memref<80xi32, #tpu.memory_space<vmem>>) target(%dma_start3A_406 : memref<10000xi32, #tpu.memory_space<hbm>>) offsets(%dma_start3A_404 : memref<80xi32, #tpu.memory_space<vmem>>) semaphore(%arg17 : memref<!tpu.dma_semaphore, #tpu.memory_space<semaphore_mem>>)
    %dma_start3A_407 = arith.constant 2 : i32
    %dma_start3A_408 = arith.constant 160 : i32
    %dma_start3A_409 = arith.constant 0 : i32
    %dma_start3A_410 = tpu.memref_slice %arg13[%dma_start3A_408, %dma_start3A_409] : memref<320x128xf32, #tpu.memory_space<vmem>> -> memref<80x128xf32, #tpu.memory_space<vmem>>
    %dma_start3A_411 = arith.constant 0 : i32
    %dma_start3A_412 = tpu.memref_slice %arg11[%dma_start3A_407, %dma_start3A_411] : memref<4x80xi32, #tpu.memory_space<vmem>> -> memref<1x80xi32, #tpu.memory_space<vmem>>
    %dma_start3A_413 = tpu.memref_squeeze %dma_start3A_412 : memref<1x80xi32, #tpu.memory_space<vmem>> -> memref<80xi32, #tpu.memory_space<vmem>>
    %dma_start3A_414 = arith.constant 0 : i32
    %dma_start3A_415 = arith.constant 0 : i32
    %dma_start3A_416 = tpu.memref_slice %arg7[%dma_start3A_414, %dma_start3A_415] : memref<10000x128xf32, #tpu.memory_space<hbm>> -> memref<10000x128xf32, #tpu.memory_space<hbm>>
    tpu.enqueue_indirect_dma source(%dma_start3A_410 : memref<80x128xf32, #tpu.memory_space<vmem>>) target(%dma_start3A_416 : memref<10000x128xf32, #tpu.memory_space<hbm>>) offsets(%dma_start3A_413 : memref<80xi32, #tpu.memory_space<vmem>>) semaphore(%arg17 : memref<!tpu.dma_semaphore, #tpu.memory_space<semaphore_mem>>)
    %dma_start3A_417 = arith.constant 3 : i32
    %dma_start3A_418 = arith.constant 3 : i32
    %dma_start3A_419 = arith.constant 0 : i32
    %dma_start3A_420 = tpu.memref_slice %arg12[%dma_start3A_417, %dma_start3A_419] : memref<4x80xi32, #tpu.memory_space<vmem>> -> memref<1x80xi32, #tpu.memory_space<vmem>>
    %dma_start3A_421 = tpu.memref_squeeze %dma_start3A_420 : memref<1x80xi32, #tpu.memory_space<vmem>> -> memref<80xi32, #tpu.memory_space<vmem>>
    %dma_start3A_422 = arith.constant 0 : i32
    %dma_start3A_423 = tpu.memref_slice %arg11[%dma_start3A_418, %dma_start3A_422] : memref<4x80xi32, #tpu.memory_space<vmem>> -> memref<1x80xi32, #tpu.memory_space<vmem>>
    %dma_start3A_424 = tpu.memref_squeeze %dma_start3A_423 : memref<1x80xi32, #tpu.memory_space<vmem>> -> memref<80xi32, #tpu.memory_space<vmem>>
    %dma_start3A_425 = arith.constant 0 : i32
    %dma_start3A_426 = tpu.memref_slice %arg5[%dma_start3A_425] : memref<10000xi32, #tpu.memory_space<hbm>> -> memref<10000xi32, #tpu.memory_space<hbm>>
    tpu.enqueue_indirect_dma source(%dma_start3A_421 : memref<80xi32, #tpu.memory_space<vmem>>) target(%dma_start3A_426 : memref<10000xi32, #tpu.memory_space<hbm>>) offsets(%dma_start3A_424 : memref<80xi32, #tpu.memory_space<vmem>>) semaphore(%arg17 : memref<!tpu.dma_semaphore, #tpu.memory_space<semaphore_mem>>)
    %dma_start3A_427 = arith.constant 3 : i32
    %dma_start3A_428 = arith.constant 240 : i32
    %dma_start3A_429 = arith.constant 0 : i32
    %dma_start3A_430 = tpu.memref_slice %arg13[%dma_start3A_428, %dma_start3A_429] : memref<320x128xf32, #tpu.memory_space<vmem>> -> memref<80x128xf32, #tpu.memory_space<vmem>>
    %dma_start3A_431 = arith.constant 0 : i32
    %dma_start3A_432 = tpu.memref_slice %arg11[%dma_start3A_427, %dma_start3A_431] : memref<4x80xi32, #tpu.memory_space<vmem>> -> memref<1x80xi32, #tpu.memory_space<vmem>>
    %dma_start3A_433 = tpu.memref_squeeze %dma_start3A_432 : memref<1x80xi32, #tpu.memory_space<vmem>> -> memref<80xi32, #tpu.memory_space<vmem>>
    %dma_start3A_434 = arith.constant 0 : i32
    %dma_start3A_435 = arith.constant 0 : i32
    %dma_start3A_436 = tpu.memref_slice %arg7[%dma_start3A_434, %dma_start3A_435] : memref<10000x128xf32, #tpu.memory_space<hbm>> -> memref<10000x128xf32, #tpu.memory_space<hbm>>
    tpu.enqueue_indirect_dma source(%dma_start3A_430 : memref<80x128xf32, #tpu.memory_space<vmem>>) target(%dma_start3A_436 : memref<10000x128xf32, #tpu.memory_space<hbm>>) offsets(%dma_start3A_433 : memref<80xi32, #tpu.memory_space<vmem>>) semaphore(%arg17 : memref<!tpu.dma_semaphore, #tpu.memory_space<semaphore_mem>>)
    tpu.wait_dma2 semaphore(%arg14 : memref<!tpu.dma_semaphore, #tpu.memory_space<semaphore_mem>>) src(%arg2 : memref<10240xi32, #tpu.memory_space<hbm>>) dst(%arg8 : memref<10240xi32, #tpu.memory_space<vmem>>)
    %dma_wait3A_437 = arith.constant 0 : i32
    %dma_wait3A_438 = tpu.memref_slice %arg4[%dma_wait3A_437, %min3A_5] : memref<2x320000xi32, #tpu.memory_space<hbm>> -> memref<2x10112xi32, #tpu.memory_space<hbm>>
    %dma_wait3A_439 = arith.constant 0 : i32
    %dma_wait3A_440 = tpu.memref_slice %arg4[%dma_wait3A_439, %min3A_5] : memref<2x320000xi32, #tpu.memory_space<hbm>> -> memref<2x10112xi32, #tpu.memory_space<hbm>>
    tpu.wait_dma2 semaphore(%arg15 : memref<!tpu.dma_semaphore, #tpu.memory_space<semaphore_mem>>) src(%dma_wait3A_440 : memref<2x10112xi32, #tpu.memory_space<hbm>>) dst(%arg9 : memref<2x10112xi32, #tpu.memory_space<vmem>>)
    %scan3A = arith.constant 0 : i32
    %scan3A_441 = arith.constant 0 : i32
    %scan3A_442 = arith.constant 158 : i32
    %scan3A_443 = arith.addi %scan3A_441, %scan3A_442 : i32
    %scan3A_444 = arith.constant 1 : i32
    scf.for %scan3A_534 = %scan3A_441 to %scan3A_443 step %scan3A_444  : i32 {
      %mul3A_535 = arith.constant 64 : i32
      %mul3A_536 = arith.muli %scan3A_534, %mul3A_535 : i32
      %add3A_537 = arith.constant 0 : i32
      %add3A_538 = arith.addi %mul3A_536, %add3A_537 : i32
      %get3A = arith.constant 0 : i32
      %get3A_539 = arith.index_cast %get3A : i32 to index
      %get3A_540 = arith.index_cast %add3A_538 : i32 to index
      %get3A_541 = tpu.vector_load %arg9[%get3A_539, %get3A_540] {strides = array<i32>} : memref<2x10112xi32, #tpu.memory_space<vmem>>, vector<16xi32>,
      %gather3A = tpu.vector_load_idx %arg8[%get3A_541] : memref<10240xi32, #tpu.memory_space<vmem>>[vector<16xi32>], vector<16xi32>,
      %add3A_542 = arith.constant 0 : i32
      %add3A_543 = arith.addi %mul3A_536, %add3A_542 : i32
      %swap3A_544 = arith.constant 0 : i32
      %swap3A_545 = arith.index_cast %swap3A_544 : i32 to index
      %swap3A_546 = arith.index_cast %add3A_543 : i32 to index
      %swap3A_547 = tpu.vector_load %arg10[%swap3A_545, %swap3A_546] {strides = array<i32>} : memref<2x10112xi32, #tpu.memory_space<vmem>>, vector<16xi32>,
      tpu.vector_store %arg10[%swap3A_545, %swap3A_546], %gather3A {strides = array<i32>} : memref<2x10112xi32, #tpu.memory_space<vmem>>, vector<16xi32>,
      %add3A_548 = arith.constant 0 : i32
      %add3A_549 = arith.addi %mul3A_536, %add3A_548 : i32
      %get3A_550 = arith.constant 1 : i32
      %get3A_551 = arith.index_cast %get3A_550 : i32 to index
      %get3A_552 = arith.index_cast %add3A_549 : i32 to index
      %get3A_553 = tpu.vector_load %arg9[%get3A_551, %get3A_552] {strides = array<i32>} : memref<2x10112xi32, #tpu.memory_space<vmem>>, vector<16xi32>,
      %gather3A_554 = tpu.vector_load_idx %arg8[%get3A_553] : memref<10240xi32, #tpu.memory_space<vmem>>[vector<16xi32>], vector<16xi32>,
      %add3A_555 = arith.constant 0 : i32
      %add3A_556 = arith.addi %mul3A_536, %add3A_555 : i32
      %swap3A_557 = arith.constant 1 : i32
      %swap3A_558 = arith.index_cast %swap3A_557 : i32 to index
      %swap3A_559 = arith.index_cast %add3A_556 : i32 to index
      %swap3A_560 = tpu.vector_load %arg10[%swap3A_558, %swap3A_559] {strides = array<i32>} : memref<2x10112xi32, #tpu.memory_space<vmem>>, vector<16xi32>,
      tpu.vector_store %arg10[%swap3A_558, %swap3A_559], %gather3A_554 {strides = array<i32>} : memref<2x10112xi32, #tpu.memory_space<vmem>>, vector<16xi32>,
      %add3A_561 = arith.constant 16 : i32
      %add3A_562 = arith.addi %mul3A_536, %add3A_561 : i32
      %get3A_563 = arith.constant 0 : i32
      %get3A_564 = arith.index_cast %get3A_563 : i32 to index
      %get3A_565 = arith.index_cast %add3A_562 : i32 to index
      %get3A_566 = tpu.vector_load %arg9[%get3A_564, %get3A_565] {strides = array<i32>} : memref<2x10112xi32, #tpu.memory_space<vmem>>, vector<16xi32>,
      %gather3A_567 = tpu.vector_load_idx %arg8[%get3A_566] : memref<10240xi32, #tpu.memory_space<vmem>>[vector<16xi32>], vector<16xi32>,
      %add3A_568 = arith.constant 16 : i32
      %add3A_569 = arith.addi %mul3A_536, %add3A_568 : i32
      %swap3A_570 = arith.constant 0 : i32
      %swap3A_571 = arith.index_cast %swap3A_570 : i32 to index
      %swap3A_572 = arith.index_cast %add3A_569 : i32 to index
      %swap3A_573 = tpu.vector_load %arg10[%swap3A_571, %swap3A_572] {strides = array<i32>} : memref<2x10112xi32, #tpu.memory_space<vmem>>, vector<16xi32>,
      tpu.vector_store %arg10[%swap3A_571, %swap3A_572], %gather3A_567 {strides = array<i32>} : memref<2x10112xi32, #tpu.memory_space<vmem>>, vector<16xi32>,
      %add3A_574 = arith.constant 16 : i32
      %add3A_575 = arith.addi %mul3A_536, %add3A_574 : i32
      %get3A_576 = arith.constant 1 : i32
      %get3A_577 = arith.index_cast %get3A_576 : i32 to index
      %get3A_578 = arith.index_cast %add3A_575 : i32 to index
      %get3A_579 = tpu.vector_load %arg9[%get3A_577, %get3A_578] {strides = array<i32>} : memref<2x10112xi32, #tpu.memory_space<vmem>>, vector<16xi32>,
      %gather3A_580 = tpu.vector_load_idx %arg8[%get3A_579] : memref<10240xi32, #tpu.memory_space<vmem>>[vector<16xi32>], vector<16xi32>,
      %add3A_581 = arith.constant 16 : i32
      %add3A_582 = arith.addi %mul3A_536, %add3A_581 : i32
      %swap3A_583 = arith.constant 1 : i32
      %swap3A_584 = arith.index_cast %swap3A_583 : i32 to index
      %swap3A_585 = arith.index_cast %add3A_582 : i32 to index
      %swap3A_586 = tpu.vector_load %arg10[%swap3A_584, %swap3A_585] {strides = array<i32>} : memref<2x10112xi32, #tpu.memory_space<vmem>>, vector<16xi32>,
      tpu.vector_store %arg10[%swap3A_584, %swap3A_585], %gather3A_580 {strides = array<i32>} : memref<2x10112xi32, #tpu.memory_space<vmem>>, vector<16xi32>,
      %add3A_587 = arith.constant 32 : i32
      %add3A_588 = arith.addi %mul3A_536, %add3A_587 : i32
      %get3A_589 = arith.constant 0 : i32
      %get3A_590 = arith.index_cast %get3A_589 : i32 to index
      %get3A_591 = arith.index_cast %add3A_588 : i32 to index
      %get3A_592 = tpu.vector_load %arg9[%get3A_590, %get3A_591] {strides = array<i32>} : memref<2x10112xi32, #tpu.memory_space<vmem>>, vector<16xi32>,
      %gather3A_593 = tpu.vector_load_idx %arg8[%get3A_592] : memref<10240xi32, #tpu.memory_space<vmem>>[vector<16xi32>], vector<16xi32>,
      %add3A_594 = arith.constant 32 : i32
      %add3A_595 = arith.addi %mul3A_536, %add3A_594 : i32
      %swap3A_596 = arith.constant 0 : i32
      %swap3A_597 = arith.index_cast %swap3A_596 : i32 to index
      %swap3A_598 = arith.index_cast %add3A_595 : i32 to index
      %swap3A_599 = tpu.vector_load %arg10[%swap3A_597, %swap3A_598] {strides = array<i32>} : memref<2x10112xi32, #tpu.memory_space<vmem>>, vector<16xi32>,
      tpu.vector_store %arg10[%swap3A_597, %swap3A_598], %gather3A_593 {strides = array<i32>} : memref<2x10112xi32, #tpu.memory_space<vmem>>, vector<16xi32>,
      %add3A_600 = arith.constant 32 : i32
      %add3A_601 = arith.addi %mul3A_536, %add3A_600 : i32
      %get3A_602 = arith.constant 1 : i32
      %get3A_603 = arith.index_cast %get3A_602 : i32 to index
      %get3A_604 = arith.index_cast %add3A_601 : i32 to index
      %get3A_605 = tpu.vector_load %arg9[%get3A_603, %get3A_604] {strides = array<i32>} : memref<2x10112xi32, #tpu.memory_space<vmem>>, vector<16xi32>,
      %gather3A_606 = tpu.vector_load_idx %arg8[%get3A_605] : memref<10240xi32, #tpu.memory_space<vmem>>[vector<16xi32>], vector<16xi32>,
      %add3A_607 = arith.constant 32 : i32
      %add3A_608 = arith.addi %mul3A_536, %add3A_607 : i32
      %swap3A_609 = arith.constant 1 : i32
      %swap3A_610 = arith.index_cast %swap3A_609 : i32 to index
      %swap3A_611 = arith.index_cast %add3A_608 : i32 to index
      %swap3A_612 = tpu.vector_load %arg10[%swap3A_610, %swap3A_611] {strides = array<i32>} : memref<2x10112xi32, #tpu.memory_space<vmem>>, vector<16xi32>,
      tpu.vector_store %arg10[%swap3A_610, %swap3A_611], %gather3A_606 {strides = array<i32>} : memref<2x10112xi32, #tpu.memory_space<vmem>>, vector<16xi32>,
      %add3A_613 = arith.constant 48 : i32
      %add3A_614 = arith.addi %mul3A_536, %add3A_613 : i32
      %get3A_615 = arith.constant 0 : i32
      %get3A_616 = arith.index_cast %get3A_615 : i32 to index
      %get3A_617 = arith.index_cast %add3A_614 : i32 to index
      %get3A_618 = tpu.vector_load %arg9[%get3A_616, %get3A_617] {strides = array<i32>} : memref<2x10112xi32, #tpu.memory_space<vmem>>, vector<16xi32>,
      %gather3A_619 = tpu.vector_load_idx %arg8[%get3A_618] : memref<10240xi32, #tpu.memory_space<vmem>>[vector<16xi32>], vector<16xi32>,
      %add3A_620 = arith.constant 48 : i32
      %add3A_621 = arith.addi %mul3A_536, %add3A_620 : i32
      %swap3A_622 = arith.constant 0 : i32
      %swap3A_623 = arith.index_cast %swap3A_622 : i32 to index
      %swap3A_624 = arith.index_cast %add3A_621 : i32 to index
      %swap3A_625 = tpu.vector_load %arg10[%swap3A_623, %swap3A_624] {strides = array<i32>} : memref<2x10112xi32, #tpu.memory_space<vmem>>, vector<16xi32>,
      tpu.vector_store %arg10[%swap3A_623, %swap3A_624], %gather3A_619 {strides = array<i32>} : memref<2x10112xi32, #tpu.memory_space<vmem>>, vector<16xi32>,
      %add3A_626 = arith.constant 48 : i32
      %add3A_627 = arith.addi %mul3A_536, %add3A_626 : i32
      %get3A_628 = arith.constant 1 : i32
      %get3A_629 = arith.index_cast %get3A_628 : i32 to index
      %get3A_630 = arith.index_cast %add3A_627 : i32 to index
      %get3A_631 = tpu.vector_load %arg9[%get3A_629, %get3A_630] {strides = array<i32>} : memref<2x10112xi32, #tpu.memory_space<vmem>>, vector<16xi32>,
      %gather3A_632 = tpu.vector_load_idx %arg8[%get3A_631] : memref<10240xi32, #tpu.memory_space<vmem>>[vector<16xi32>], vector<16xi32>,
      %add3A_633 = arith.constant 48 : i32
      %add3A_634 = arith.addi %mul3A_536, %add3A_633 : i32
      %swap3A_635 = arith.constant 1 : i32
      %swap3A_636 = arith.index_cast %swap3A_635 : i32 to index
      %swap3A_637 = arith.index_cast %add3A_634 : i32 to index
      %swap3A_638 = tpu.vector_load %arg10[%swap3A_636, %swap3A_637] {strides = array<i32>} : memref<2x10112xi32, #tpu.memory_space<vmem>>, vector<16xi32>,
      tpu.vector_store %arg10[%swap3A_636, %swap3A_637], %gather3A_632 {strides = array<i32>} : memref<2x10112xi32, #tpu.memory_space<vmem>>, vector<16xi32>,
    }
    %scan3A_445 = arith.constant 158 : i32
    %dma_start3A_446 = arith.constant 0 : i32
    %dma_start3A_447 = tpu.memref_slice %arg6[%dma_start3A_446, %min3A_5] : memref<2x320000xi32, #tpu.memory_space<hbm>> -> memref<2x10112xi32, #tpu.memory_space<hbm>>
    %dma_start3A_448 = arith.constant 0 : i32
    %dma_start3A_449 = tpu.memref_slice %arg6[%dma_start3A_448, %min3A_5] : memref<2x320000xi32, #tpu.memory_space<hbm>> -> memref<2x10112xi32, #tpu.memory_space<hbm>>
    tpu.enqueue_dma source(%arg10 : memref<2x10112xi32, #tpu.memory_space<vmem>>) target(%dma_start3A_449 : memref<2x10112xi32, #tpu.memory_space<hbm>>) target_semaphore(%arg15 : memref<!tpu.dma_semaphore, #tpu.memory_space<semaphore_mem>>)
    %dma_wait3A_450 = arith.constant 0 : i32
    %dma_wait3A_451 = arith.constant 0 : i32
    %dma_wait3A_452 = arith.constant 0 : i32
    %dma_wait3A_453 = tpu.memref_slice %arg12[%dma_wait3A_450, %dma_wait3A_452] : memref<4x80xi32, #tpu.memory_space<vmem>> -> memref<1x80xi32, #tpu.memory_space<vmem>>
    %dma_wait3A_454 = tpu.memref_squeeze %dma_wait3A_453 : memref<1x80xi32, #tpu.memory_space<vmem>> -> memref<80xi32, #tpu.memory_space<vmem>>
    %dma_wait3A_455 = arith.constant 0 : i32
    %dma_wait3A_456 = tpu.memref_slice %arg11[%dma_wait3A_451, %dma_wait3A_455] : memref<4x80xi32, #tpu.memory_space<vmem>> -> memref<1x80xi32, #tpu.memory_space<vmem>>
    %dma_wait3A_457 = tpu.memref_squeeze %dma_wait3A_456 : memref<1x80xi32, #tpu.memory_space<vmem>> -> memref<80xi32, #tpu.memory_space<vmem>>
    %dma_wait3A_458 = arith.constant 0 : i32
    %dma_wait3A_459 = tpu.memref_slice %arg5[%dma_wait3A_458] : memref<10000xi32, #tpu.memory_space<hbm>> -> memref<10000xi32, #tpu.memory_space<hbm>>
    tpu.wait_indirect_dma semaphore(%arg17 : memref<!tpu.dma_semaphore, #tpu.memory_space<semaphore_mem>>) src(%dma_wait3A_454 : memref<80xi32, #tpu.memory_space<vmem>>) dst(%dma_wait3A_459 : memref<10000xi32, #tpu.memory_space<hbm>>)
    %dma_wait3A_460 = arith.constant 0 : i32
    %dma_wait3A_461 = arith.constant 0 : i32
    %dma_wait3A_462 = arith.constant 0 : i32
    %dma_wait3A_463 = tpu.memref_slice %arg13[%dma_wait3A_461, %dma_wait3A_462] : memref<320x128xf32, #tpu.memory_space<vmem>> -> memref<80x128xf32, #tpu.memory_space<vmem>>
    %dma_wait3A_464 = arith.constant 0 : i32
    %dma_wait3A_465 = tpu.memref_slice %arg11[%dma_wait3A_460, %dma_wait3A_464] : memref<4x80xi32, #tpu.memory_space<vmem>> -> memref<1x80xi32, #tpu.memory_space<vmem>>
    %dma_wait3A_466 = tpu.memref_squeeze %dma_wait3A_465 : memref<1x80xi32, #tpu.memory_space<vmem>> -> memref<80xi32, #tpu.memory_space<vmem>>
    %dma_wait3A_467 = arith.constant 0 : i32
    %dma_wait3A_468 = arith.constant 0 : i32
    %dma_wait3A_469 = tpu.memref_slice %arg7[%dma_wait3A_467, %dma_wait3A_468] : memref<10000x128xf32, #tpu.memory_space<hbm>> -> memref<10000x128xf32, #tpu.memory_space<hbm>>
    tpu.wait_indirect_dma semaphore(%arg17 : memref<!tpu.dma_semaphore, #tpu.memory_space<semaphore_mem>>) src(%dma_wait3A_463 : memref<80x128xf32, #tpu.memory_space<vmem>>) dst(%dma_wait3A_469 : memref<10000x128xf32, #tpu.memory_space<hbm>>)
    %dma_wait3A_470 = arith.constant 1 : i32
    %dma_wait3A_471 = arith.constant 1 : i32
    %dma_wait3A_472 = arith.constant 0 : i32
    %dma_wait3A_473 = tpu.memref_slice %arg12[%dma_wait3A_470, %dma_wait3A_472] : memref<4x80xi32, #tpu.memory_space<vmem>> -> memref<1x80xi32, #tpu.memory_space<vmem>>
    %dma_wait3A_474 = tpu.memref_squeeze %dma_wait3A_473 : memref<1x80xi32, #tpu.memory_space<vmem>> -> memref<80xi32, #tpu.memory_space<vmem>>
    %dma_wait3A_475 = arith.constant 0 : i32
    %dma_wait3A_476 = tpu.memref_slice %arg11[%dma_wait3A_471, %dma_wait3A_475] : memref<4x80xi32, #tpu.memory_space<vmem>> -> memref<1x80xi32, #tpu.memory_space<vmem>>
    %dma_wait3A_477 = tpu.memref_squeeze %dma_wait3A_476 : memref<1x80xi32, #tpu.memory_space<vmem>> -> memref<80xi32, #tpu.memory_space<vmem>>
    %dma_wait3A_478 = arith.constant 0 : i32
    %dma_wait3A_479 = tpu.memref_slice %arg5[%dma_wait3A_478] : memref<10000xi32, #tpu.memory_space<hbm>> -> memref<10000xi32, #tpu.memory_space<hbm>>
    tpu.wait_indirect_dma semaphore(%arg17 : memref<!tpu.dma_semaphore, #tpu.memory_space<semaphore_mem>>) src(%dma_wait3A_474 : memref<80xi32, #tpu.memory_space<vmem>>) dst(%dma_wait3A_479 : memref<10000xi32, #tpu.memory_space<hbm>>)
    %dma_wait3A_480 = arith.constant 1 : i32
    %dma_wait3A_481 = arith.constant 80 : i32
    %dma_wait3A_482 = arith.constant 0 : i32
    %dma_wait3A_483 = tpu.memref_slice %arg13[%dma_wait3A_481, %dma_wait3A_482] : memref<320x128xf32, #tpu.memory_space<vmem>> -> memref<80x128xf32, #tpu.memory_space<vmem>>
    %dma_wait3A_484 = arith.constant 0 : i32
    %dma_wait3A_485 = tpu.memref_slice %arg11[%dma_wait3A_480, %dma_wait3A_484] : memref<4x80xi32, #tpu.memory_space<vmem>> -> memref<1x80xi32, #tpu.memory_space<vmem>>
    %dma_wait3A_486 = tpu.memref_squeeze %dma_wait3A_485 : memref<1x80xi32, #tpu.memory_space<vmem>> -> memref<80xi32, #tpu.memory_space<vmem>>
    %dma_wait3A_487 = arith.constant 0 : i32
    %dma_wait3A_488 = arith.constant 0 : i32
    %dma_wait3A_489 = tpu.memref_slice %arg7[%dma_wait3A_487, %dma_wait3A_488] : memref<10000x128xf32, #tpu.memory_space<hbm>> -> memref<10000x128xf32, #tpu.memory_space<hbm>>
    tpu.wait_indirect_dma semaphore(%arg17 : memref<!tpu.dma_semaphore, #tpu.memory_space<semaphore_mem>>) src(%dma_wait3A_483 : memref<80x128xf32, #tpu.memory_space<vmem>>) dst(%dma_wait3A_489 : memref<10000x128xf32, #tpu.memory_space<hbm>>)
    %dma_wait3A_490 = arith.constant 2 : i32
    %dma_wait3A_491 = arith.constant 2 : i32
    %dma_wait3A_492 = arith.constant 0 : i32
    %dma_wait3A_493 = tpu.memref_slice %arg12[%dma_wait3A_490, %dma_wait3A_492] : memref<4x80xi32, #tpu.memory_space<vmem>> -> memref<1x80xi32, #tpu.memory_space<vmem>>
    %dma_wait3A_494 = tpu.memref_squeeze %dma_wait3A_493 : memref<1x80xi32, #tpu.memory_space<vmem>> -> memref<80xi32, #tpu.memory_space<vmem>>
    %dma_wait3A_495 = arith.constant 0 : i32
    %dma_wait3A_496 = tpu.memref_slice %arg11[%dma_wait3A_491, %dma_wait3A_495] : memref<4x80xi32, #tpu.memory_space<vmem>> -> memref<1x80xi32, #tpu.memory_space<vmem>>
    %dma_wait3A_497 = tpu.memref_squeeze %dma_wait3A_496 : memref<1x80xi32, #tpu.memory_space<vmem>> -> memref<80xi32, #tpu.memory_space<vmem>>
    %dma_wait3A_498 = arith.constant 0 : i32
    %dma_wait3A_499 = tpu.memref_slice %arg5[%dma_wait3A_498] : memref<10000xi32, #tpu.memory_space<hbm>> -> memref<10000xi32, #tpu.memory_space<hbm>>
    tpu.wait_indirect_dma semaphore(%arg17 : memref<!tpu.dma_semaphore, #tpu.memory_space<semaphore_mem>>) src(%dma_wait3A_494 : memref<80xi32, #tpu.memory_space<vmem>>) dst(%dma_wait3A_499 : memref<10000xi32, #tpu.memory_space<hbm>>)
    %dma_wait3A_500 = arith.constant 2 : i32
    %dma_wait3A_501 = arith.constant 160 : i32
    %dma_wait3A_502 = arith.constant 0 : i32
    %dma_wait3A_503 = tpu.memref_slice %arg13[%dma_wait3A_501, %dma_wait3A_502] : memref<320x128xf32, #tpu.memory_space<vmem>> -> memref<80x128xf32, #tpu.memory_space<vmem>>
    %dma_wait3A_504 = arith.constant 0 : i32
    %dma_wait3A_505 = tpu.memref_slice %arg11[%dma_wait3A_500, %dma_wait3A_504] : memref<4x80xi32, #tpu.memory_space<vmem>> -> memref<1x80xi32, #tpu.memory_space<vmem>>
    %dma_wait3A_506 = tpu.memref_squeeze %dma_wait3A_505 : memref<1x80xi32, #tpu.memory_space<vmem>> -> memref<80xi32, #tpu.memory_space<vmem>>
    %dma_wait3A_507 = arith.constant 0 : i32
    %dma_wait3A_508 = arith.constant 0 : i32
    %dma_wait3A_509 = tpu.memref_slice %arg7[%dma_wait3A_507, %dma_wait3A_508] : memref<10000x128xf32, #tpu.memory_space<hbm>> -> memref<10000x128xf32, #tpu.memory_space<hbm>>
    tpu.wait_indirect_dma semaphore(%arg17 : memref<!tpu.dma_semaphore, #tpu.memory_space<semaphore_mem>>) src(%dma_wait3A_503 : memref<80x128xf32, #tpu.memory_space<vmem>>) dst(%dma_wait3A_509 : memref<10000x128xf32, #tpu.memory_space<hbm>>)
    %dma_wait3A_510 = arith.constant 3 : i32
    %dma_wait3A_511 = arith.constant 3 : i32
    %dma_wait3A_512 = arith.constant 0 : i32
    %dma_wait3A_513 = tpu.memref_slice %arg12[%dma_wait3A_510, %dma_wait3A_512] : memref<4x80xi32, #tpu.memory_space<vmem>> -> memref<1x80xi32, #tpu.memory_space<vmem>>
    %dma_wait3A_514 = tpu.memref_squeeze %dma_wait3A_513 : memref<1x80xi32, #tpu.memory_space<vmem>> -> memref<80xi32, #tpu.memory_space<vmem>>
    %dma_wait3A_515 = arith.constant 0 : i32
    %dma_wait3A_516 = tpu.memref_slice %arg11[%dma_wait3A_511, %dma_wait3A_515] : memref<4x80xi32, #tpu.memory_space<vmem>> -> memref<1x80xi32, #tpu.memory_space<vmem>>
    %dma_wait3A_517 = tpu.memref_squeeze %dma_wait3A_516 : memref<1x80xi32, #tpu.memory_space<vmem>> -> memref<80xi32, #tpu.memory_space<vmem>>
    %dma_wait3A_518 = arith.constant 0 : i32
    %dma_wait3A_519 = tpu.memref_slice %arg5[%dma_wait3A_518] : memref<10000xi32, #tpu.memory_space<hbm>> -> memref<10000xi32, #tpu.memory_space<hbm>>
    tpu.wait_indirect_dma semaphore(%arg17 : memref<!tpu.dma_semaphore, #tpu.memory_space<semaphore_mem>>) src(%dma_wait3A_514 : memref<80xi32, #tpu.memory_space<vmem>>) dst(%dma_wait3A_519 : memref<10000xi32, #tpu.memory_space<hbm>>)
    %dma_wait3A_520 = arith.constant 3 : i32
    %dma_wait3A_521 = arith.constant 240 : i32
    %dma_wait3A_522 = arith.constant 0 : i32
    %dma_wait3A_523 = tpu.memref_slice %arg13[%dma_wait3A_521, %dma_wait3A_522] : memref<320x128xf32, #tpu.memory_space<vmem>> -> memref<80x128xf32, #tpu.memory_space<vmem>>
    %dma_wait3A_524 = arith.constant 0 : i32
    %dma_wait3A_525 = tpu.memref_slice %arg11[%dma_wait3A_520, %dma_wait3A_524] : memref<4x80xi32, #tpu.memory_space<vmem>> -> memref<1x80xi32, #tpu.memory_space<vmem>>
    %dma_wait3A_526 = tpu.memref_squeeze %dma_wait3A_525 : memref<1x80xi32, #tpu.memory_space<vmem>> -> memref<80xi32, #tpu.memory_space<vmem>>
    %dma_wait3A_527 = arith.constant 0 : i32
    %dma_wait3A_528 = arith.constant 0 : i32
    %dma_wait3A_529 = tpu.memref_slice %arg7[%dma_wait3A_527, %dma_wait3A_528] : memref<10000x128xf32, #tpu.memory_space<hbm>> -> memref<10000x128xf32, #tpu.memory_space<hbm>>
    tpu.wait_indirect_dma semaphore(%arg17 : memref<!tpu.dma_semaphore, #tpu.memory_space<semaphore_mem>>) src(%dma_wait3A_523 : memref<80x128xf32, #tpu.memory_space<vmem>>) dst(%dma_wait3A_529 : memref<10000x128xf32, #tpu.memory_space<hbm>>)
    %dma_wait3A_530 = arith.constant 0 : i32
    %dma_wait3A_531 = tpu.memref_slice %arg6[%dma_wait3A_530, %min3A_5] : memref<2x320000xi32, #tpu.memory_space<hbm>> -> memref<2x10112xi32, #tpu.memory_space<hbm>>
    %dma_wait3A_532 = arith.constant 0 : i32
    %dma_wait3A_533 = tpu.memref_slice %arg6[%dma_wait3A_532, %min3A_5] : memref<2x320000xi32, #tpu.memory_space<hbm>> -> memref<2x10112xi32, #tpu.memory_space<hbm>>
    tpu.wait_dma2 semaphore(%arg15 : memref<!tpu.dma_semaphore, #tpu.memory_space<semaphore_mem>>) src(%arg10 : memref<2x10112xi32, #tpu.memory_space<vmem>>) dst(%dma_wait3A_533 : memref<2x10112xi32, #tpu.memory_space<hbm>>)
    return
  }
}

module attributes {stable_mosaic.version = 14 : i64} {
  func.func @_rank_body(%arg0: i32, %arg1: memref<256x1xf32, #tpu.memory_space<vmem>>, %arg2: memref<1x10240xf32, #tpu.memory_space<vmem>>, %arg3: memref<256x128xf32, #tpu.memory_space<vmem>>, %arg4: memref<256xi32, #tpu.memory_space<vmem>>, %arg5: memref<256x128xf32, #tpu.memory_space<vmem>>, %arg6: memref<1x10240xi32, #tpu.memory_space<vmem>>) attributes {dimension_semantics = [#tpu.dimension_semantics<arbitrary>], iteration_bounds = array<i64: 40>, scalar_prefetch = 0 : i64, scratch_operands = 1 : i64, tpu.core_type = #tpu.core_type<tc>, window_params = [{transform_indices = @transform_0, window_bounds = array<i64: 256, 1>}, {pipeline_mode = #tpu.pipeline_mode<synchronous>, transform_indices = @transform_1, window_bounds = array<i64: 1, 10240>}, {transform_indices = @transform_2, window_bounds = array<i64: 256, 128>}, {transform_indices = @transform_3, window_bounds = array<i64: 256>}, {transform_indices = @transform_4, window_bounds = array<i64: 256, 128>}]} {
    %eq3A = arith.constant 0 : i32
    %eq3A_0 = arith.cmpi eq, %arg0, %eq3A : i32
    %convert_element_type3A = arith.extui %eq3A_0 : i1 to i32
    %cond3A = arith.constant 0 : i32
    %cond3A_1 = arith.cmpi ne, %convert_element_type3A, %cond3A : i32
    scf.if %cond3A_1 {
      %get3A_48 = arith.constant 0 : index
      %get3A_49 = arith.constant 0 : index
      %get3A_50 = vector.load %arg2[%get3A_48, %get3A_49] : memref<1x10240xf32, #tpu.memory_space<vmem>>, vector<1x10240xf32>
      %bitcast_convert_type3A_51 = tpu.bitcast %get3A_50 : vector<1x10240xf32> -> vector<1x10240xi32>
      %shift_right_arithmetic3A_52 = arith.constant 31 : i32
      %shift_right_arithmetic3A_53 = vector.broadcast %shift_right_arithmetic3A_52 : i32 to vector<1x10240xi32>
      %shift_right_arithmetic3A_54 = arith.shrsi %bitcast_convert_type3A_51, %shift_right_arithmetic3A_53 : vector<1x10240xi32>
      %and3A_55 = arith.constant 2147483647 : i32
      %and3A_56 = vector.broadcast %and3A_55 : i32 to vector<1x10240xi32>
      %and3A_57 = arith.andi %shift_right_arithmetic3A_54, %and3A_56 : vector<1x10240xi32>
      %xor3A_58 = arith.xori %bitcast_convert_type3A_51, %and3A_57 : vector<1x10240xi32>
      %swap3A_59 = arith.constant 0 : index
      %swap3A_60 = arith.constant 0 : index
      %swap3A_61 = vector.load %arg6[%swap3A_59, %swap3A_60] : memref<1x10240xi32, #tpu.memory_space<vmem>>, vector<1x10240xi32>
      tpu.vector_store %arg6[%swap3A_59, %swap3A_60], %xor3A_58 {strides = array<i32>} : memref<1x10240xi32, #tpu.memory_space<vmem>>, vector<1x10240xi32>,
    } else {
    }
    %get3A = arith.constant 0 : index
    %get3A_2 = arith.constant 0 : index
    %get3A_3 = vector.load %arg1[%get3A, %get3A_2] : memref<256x1xf32, #tpu.memory_space<vmem>>, vector<256x1xf32>
    %bitcast_convert_type3A = tpu.bitcast %get3A_3 : vector<256x1xf32> -> vector<256x1xi32>
    %shift_right_arithmetic3A = arith.constant 31 : i32
    %shift_right_arithmetic3A_4 = vector.broadcast %shift_right_arithmetic3A : i32 to vector<256x1xi32>
    %shift_right_arithmetic3A_5 = arith.shrsi %bitcast_convert_type3A, %shift_right_arithmetic3A_4 : vector<256x1xi32>
    %and3A = arith.constant 2147483647 : i32
    %and3A_6 = vector.broadcast %and3A : i32 to vector<256x1xi32>
    %and3A_7 = arith.andi %shift_right_arithmetic3A_5, %and3A_6 : vector<256x1xi32>
    %xor3A = arith.xori %bitcast_convert_type3A, %and3A_7 : vector<256x1xi32>
    %get3A_8 = arith.constant 0 : index
    %get3A_9 = arith.constant 0 : index
    %get3A_10 = vector.load %arg6[%get3A_8, %get3A_9] : memref<1x10240xi32, #tpu.memory_space<vmem>>, vector<1x10240xi32>
    %iota3A = tpu.iota {dimensions = array<i32: 1>} : vector<1x10240xi32>
    %mul3A = arith.constant 256 : i32
    %mul3A_11 = arith.muli %arg0, %mul3A : i32
    %ge3A = vector.broadcast %mul3A_11 : i32 to vector<1x10240xi32>
    %ge3A_12 = arith.cmpi sge, %iota3A, %ge3A : vector<1x10240xi32>
    %convert_element_type3A_13 = arith.extui %ge3A_12 : vector<1x10240xi1> to vector<1x10240xi32>
    %sub3A = arith.subi %get3A_10, %convert_element_type3A_13 : vector<1x10240xi32>
    %ge3A_14 = vector.broadcast %sub3A : vector<1x10240xi32> to vector<256x10240xi32>
    %ge3A_15 = vector.broadcast %xor3A : vector<256x1xi32> to vector<256x10240xi32>
    %ge3A_16 = arith.cmpi sge, %ge3A_14, %ge3A_15 : vector<256x10240xi32>
    %convert_element_type3A_17 = arith.extui %ge3A_16 : vector<256x10240xi1> to vector<256x10240xi32>
    %reduce_sum3A = arith.constant dense<0> : vector<256xi32>
    %reduce_sum3A_18 = vector.multi_reduction <add>, %convert_element_type3A_17, %reduce_sum3A [1] : vector<256x10240xi32> to vector<256xi32>
    %broadcast_in_dim3A = vector.shape_cast %reduce_sum3A_18 : vector<256xi32> to vector<256x1xi32>
    %mul3A_19 = arith.constant 256 : i32
    %mul3A_20 = arith.muli %arg0, %mul3A_19 : i32
    %get3A_21 = arith.constant 0 : index
    %get3A_22 = arith.index_cast %mul3A_20 : i32 to index
    %get3A_23 = vector.load %arg6[%get3A_21, %get3A_22] : memref<1x10240xi32, #tpu.memory_space<vmem>>, vector<1x256xi32>
    %iota3A_24 = tpu.iota {dimensions = array<i32: 1>} : vector<1x256xi32>
    %iota3A_25 = tpu.iota {dimensions = array<i32: 0>} : vector<256x1xi32>
    %eq3A_26 = vector.broadcast %get3A_23 : vector<1x256xi32> to vector<256x256xi32>
    %eq3A_27 = vector.broadcast %xor3A : vector<256x1xi32> to vector<256x256xi32>
    %eq3A_28 = arith.cmpi eq, %eq3A_26, %eq3A_27 : vector<256x256xi32>
    %lt3A = vector.broadcast %iota3A_24 : vector<1x256xi32> to vector<256x256xi32>
    %lt3A_29 = vector.broadcast %iota3A_25 : vector<256x1xi32> to vector<256x256xi32>
    %lt3A_30 = arith.cmpi slt, %lt3A, %lt3A_29 : vector<256x256xi32>
    %and3A_31 = arith.andi %eq3A_28, %lt3A_30 : vector<256x256xi1>
    %convert_element_type3A_32 = arith.extui %and3A_31 : vector<256x256xi1> to vector<256x256xi32>
    %reduce_sum3A_33 = arith.constant dense<0> : vector<256xi32>
    %reduce_sum3A_34 = vector.multi_reduction <add>, %convert_element_type3A_32, %reduce_sum3A_33 [1] : vector<256x256xi32> to vector<256xi32>
    %broadcast_in_dim3A_35 = vector.shape_cast %reduce_sum3A_34 : vector<256xi32> to vector<256x1xi32>
    %add3A = arith.addi %broadcast_in_dim3A, %broadcast_in_dim3A_35 : vector<256x1xi32>
    %transpose3A = tpu.transpose %add3A, [1, 0] : vector<256x1xi32> -> vector<1x256xi32>
    %reshape3A = vector.shape_cast %transpose3A : vector<1x256xi32> to vector<256xi32>
    %swap3A = arith.constant 0 : index
    %swap3A_36 = vector.load %arg4[%swap3A] : memref<256xi32, #tpu.memory_space<vmem>>, vector<256xi32>
    tpu.vector_store %arg4[%swap3A], %reshape3A {strides = array<i32>} : memref<256xi32, #tpu.memory_space<vmem>>, vector<256xi32>,
    %get3A_37 = arith.constant 0 : index
    %get3A_38 = arith.constant 0 : index
    %get3A_39 = vector.load %arg3[%get3A_37, %get3A_38] : memref<256x128xf32, #tpu.memory_space<vmem>>, vector<256x128xf32>
    %get3A_40 = arith.constant 0 : index
    %get3A_41 = arith.constant 0 : index
    %get3A_42 = vector.load %arg1[%get3A_40, %get3A_41] : memref<256x1xf32, #tpu.memory_space<vmem>>, vector<256x1xf32>
    %tanh3A = math.tanh %get3A_42 : vector<256x1xf32>
    %mul3A_43 = vector.broadcast %tanh3A : vector<256x1xf32> to vector<256x128xf32>
    %mul3A_44 = arith.mulf %get3A_39, %mul3A_43 : vector<256x128xf32>
    %swap3A_45 = arith.constant 0 : index
    %swap3A_46 = arith.constant 0 : index
    %swap3A_47 = vector.load %arg5[%swap3A_45, %swap3A_46] : memref<256x128xf32, #tpu.memory_space<vmem>>, vector<256x128xf32>
    tpu.vector_store %arg5[%swap3A_45, %swap3A_46], %mul3A_44 {strides = array<i32>} : memref<256x128xf32, #tpu.memory_space<vmem>>, vector<256x128xf32>,
    return
  }
  func.func @transform_0(%arg0: i32) -> (i32, i32) {
    %c0_i32 = arith.constant 0 : i32
    %c0_i32_0 = arith.constant 0 : i32
    return %arg0, %c0_i32 : i32, i32
  }
  func.func @transform_1(%arg0: i32) -> (i32, i32) {
    %c0_i32 = arith.constant 0 : i32
    %c0_i32_0 = arith.constant 0 : i32
    %c0_i32_1 = arith.constant 0 : i32
    return %c0_i32, %c0_i32_0 : i32, i32
  }
  func.func @transform_2(%arg0: i32) -> (i32, i32) {
    %min3A = arith.constant 39 : i32
    %min3A_0 = arith.minsi %arg0, %min3A : i32
    %c0_i32 = arith.constant 0 : i32
    %c0_i32_1 = arith.constant 0 : i32
    return %min3A_0, %c0_i32 : i32, i32
  }
  func.func @transform_3(%arg0: i32) -> i32 {
    %c0_i32 = arith.constant 0 : i32
    return %arg0 : i32
  }
  func.func @transform_4(%arg0: i32) -> (i32, i32) {
    %c0_i32 = arith.constant 0 : i32
    %c0_i32_0 = arith.constant 0 : i32
    return %arg0, %c0_i32 : i32, i32
  }
}

</mosaic_0001>

<sc_bundles>
// kernel: kernel.4.cloned.1.call-start
scs
__scs_entry_jumppad:
0x0: {  	(pc) =	sbr.rel $0x88, $3  }
0x1: {  	(tag) =	ssettag $0x0;
	lr =	simm.s32 $0x1  }
0x2: {  	[smem:$0x3F9D] =	sst lr;
	_ =	strace $0xD0000000  }
0x3: {  	_ = 	snop  }
0x4: {  	_ = 	snop  }
0x5: {  	_ = 	snop  }
0x6: {  	_ = 	snop  }
0x7: {  	_ = 	snop  }
__scs_overlays_trampoline_lowered:
0x8: {  	[smem:$0x3FAC] =	sst s0  }
0x9: {  	[smem:$0x3FAD] =	sst s1  }
0xa: {  	[smem:$0x3FAE] =	sst s2  }
0xb: {  	[smem:$0x3FAF] =	sst s3  }
0xc: {  	[smem:$0x3FB0] =	sst s4  }
0xd: {  	[smem:$0x3FB1] =	sst s5  }
0xe: {  	[smem:$0x3FB2] =	sst s6  }
0xf: {  	[smem:$0x3FB3] =	sst s7  }
0x10: {  	[smem:$0x3FB4] =	sst s8  }
0x11: {  	[smem:$0x3FB5] =	sst s9;
	s0 =	simm.s32 @!p0 $0x0  }
0x12: {  	s1 =	sld [smem:$0x3F9B];
	s0 =	simm.s32 @p0 $0x1  }
0x13: {  	[smem:$0x3FB6] =	sst s0;
	s0 =	simm.s32 @!p1 $0x0  }
0x14: {  	s2 =	sld [smem:$0x3F9A];
	s0 =	simm.s32 @p1 $0x1  }
0x15: {  	[smem:$0x3FB7] =	sst s0;
	s0 =	simm.s32 @!p2 $0x0  }
0x16: {  	s3 =	sld [smem:$0x3FDB];
	s0 =	simm.s32 @p2 $0x1  }
0x17: {  	s4 =	simm.s32 $0x1BF5;
	[smem:$0x3FB9] =	sst s0  }
0x18: {  	s0 =	sld [smem:$0x3F9C];
	_ =	swait.ge [sflag:s4], $0x0  }
0x19: {  	s7 =	sld [smem:$0x3F9D]  }
0x1a: {  	s8 =	sadd.s32 $0xFFFFE003, lr  }
0x1b: {  	s9 =	sadd.s32 $0xFFFFFEF7, lr;
	s5 =	simm.s32 $0xFFFFFFFF;
	p2 =	slt.u32 s8, $0xFFFFF086  }
0x1c: {  	p1 =	slt.u32 s9, $0xF7A;
	s5 =	simm.s32 @!p2 $0x0  }
0x1d: {  	s5 =	simm.s32 @p1 $0x1;
	p0 =	seq.s32 s7, s2  }
0x1e: {  	s7 =	smul.u32 @!p0 $0xF7A, s2;
	p2 =	seq.s32 @!p0 s5, $0x0  }
0x1f: {  	s9 =	smul.u32 $0xF7A, s1;
	s8 =	simm.s32 @!p0 $0x1BF5;
	p2 =	por !p2, p0  }
0x20: {  	[sflag:s8] =	ssyncset.s32 @!p0 $0xFFFFF086;
	s6 =	sadd.s32 @!p0 s3, s7;
	s7 =	simm.s32 @!p0 $0x108  }
0x21: {  	s3 =	sadd.s32 s3, s9;
	s6 =	sadd.s32 @!p0 $0x88, s6;
	s7 =	simm.s32 @p2 $0x1082  }
0x22: {  	[simem:s7], [sflag:s8] =	dma.local @!p0 [hbm:s6], $0xF7A  }
0x23: {  	s9 =	sor.u32 $0xD0000000, s2;
	s6 =	simm.s32 $0x108;
	_ =	swait.ge @!p0 [sflag:s8], $0x0  }
0x24: {  	s3 =	sadd.s32 $0x88, s3;
	s6 =	simm.s32 @!p1 $0x1082;
	[sflag:s4] =	ssyncset.s32 $0xFFFFF086  }
0x25: {  	[simem:s6], [sflag:s4] =	dma.local [hbm:s3], $0xF7A  }
0x26: {  	[smem:$0x3F9D] =	sst s1;
	(tag) =	ssettag s2;
	_ =	strace s9  }
0x27: {  	s1 =	sld [smem:$0x3FAD]  }
0x28: {  	s2 =	sld [smem:$0x3FAE]  }
0x29: {  	s4 =	sld [smem:$0x3FB0]  }
0x2a: {  	p0 =	seq.s32 s5, $0x0;
	s5 =	sld [smem:$0x3FB1]  }
0x2b: {  	s6 =	sld [smem:$0x3FB2]  }
0x2c: {  	s7 =	sld [smem:$0x3FB3]  }
0x2d: {  	s3 =	simm.s32 $0x108;
	s8 =	sld [smem:$0x3FB4]  }
0x2e: {  	s3 =	simm.s32 @!p0 $0x1082;
	s9 =	sld [smem:$0x3FB5]  }
0x2f: {  	lr =	sadd.s32 s0, s3;
	s0 =	sld [smem:$0x3FAC]  }
0x30: {  	s3 =	sld [smem:$0x3FAF]  }
0x31: {  	[smem:$0x3FB8] =	sst s10  }
0x32: {  	s10 =	sld [smem:$0x3FB6];
	_ =	sdelay $0x3  }
0x33: {  	p0 =	seq.s32 s10, $0x1;
	s10 =	sld [smem:$0x3FB8];
	_ =	sdelay $0x3  }
0x34: {  	[smem:$0x3FB8] =	sst s10  }
0x35: {  	s10 =	sld [smem:$0x3FB7];
	_ =	sdelay $0x3  }
0x36: {  	p1 =	seq.s32 s10, $0x1;
	s10 =	sld [smem:$0x3FB8];
	_ =	sdelay $0x3  }
0x37: {  	[smem:$0x3FB8] =	sst s10  }
0x38: {  	s10 =	sld [smem:$0x3FB9]  }
0x39: {  	_ = 	snop;
	(pc) =	sbr.ind lr, $3  }
0x3a: {  	_ = 	snop  }
0x3b: {  	_ = 	snop  }
0x3c: {  	p2 =	seq.s32 s10, $0x1;
	s10 =	sld [smem:$0x3FB8]  }
0x3d: {  	_ =	shalt  }
0x3e: {  	_ =	shalt  }
0x3f: {  	_ =	shalt  }
0x40: {  	_ =	shalt  }
0x41: {  	_ =	shalt  }
0x42: {  	_ =	shalt  }
0x43: {  	_ =	shalt  }
0x44: {  	_ =	shalt  }
0x45: {  	_ =	shalt  }
0x46: {  	_ =	shalt  }
0x47: {  	_ =	shalt  }
0x48: {  	_ =	shalt  }
0x49: {  	_ =	shalt  }
0x4a: {  	_ =	shalt  }
0x4b: {  	_ =	shalt  }
0x4c: {  	_ =	shalt  }
0x4d: {  	_ =	shalt  }
0x4e: {  	_ =	shalt  }
0x4f: {  	_ =	shalt  }
0x50: {  	_ =	shalt  }
0x51: {  	_ =	shalt  }
0x52: {  	_ =	shalt  }
0x53: {  	_ =	shalt  }
0x54: {  	_ =	shalt  }
0x55: {  	_ =	shalt  }
0x56: {  	_ =	shalt  }
0x57: {  	_ =	shalt  }
0x58: {  	_ =	shalt  }
0x59: {  	_ =	shalt  }
0x5a: {  	_ =	shalt  }
0x5b: {  	_ =	shalt  }
0x5c: {  	_ =	shalt  }
0x5d: {  	_ =	shalt  }
0x5e: {  	_ =	shalt  }
0x5f: {  	_ =	shalt  }
0x60: {  	_ =	shalt  }
0x61: {  	_ =	shalt  }
0x62: {  	_ =	shalt  }
0x63: {  	_ =	shalt  }
0x64: {  	_ =	shalt  }
0x65: {  	_ =	shalt  }
0x66: {  	_ =	shalt  }
0x67: {  	_ =	shalt  }
0x68: {  	_ =	shalt  }
0x69: {  	_ =	shalt  }
0x6a: {  	_ =	shalt  }
0x6b: {  	_ =	shalt  }
0x6c: {  	_ =	shalt  }
0x6d: {  	_ =	shalt  }
0x6e: {  	_ =	shalt  }
0x6f: {  	_ =	shalt  }
0x70: {  	_ =	shalt  }
0x71: {  	_ =	shalt  }
0x72: {  	_ =	shalt  }
0x73: {  	_ =	shalt  }
0x74: {  	_ =	shalt  }
0x75: {  	_ =	shalt  }
0x76: {  	_ =	shalt  }
0x77: {  	_ =	shalt  }
0x78: {  	_ =	shalt  }
0x79: {  	_ =	shalt  }
0x7a: {  	_ =	shalt  }
0x7b: {  	_ =	shalt  }
0x7c: {  	_ =	shalt  }
0x7d: {  	_ =	shalt  }
0x7e: {  	_ =	shalt  }
0x7f: {  	_ =	shalt  }
0x80: {  	_ =	shalt  }
0x81: {  	_ =	shalt  }
0x82: {  	_ =	shalt  }
0x83: {  	_ =	shalt  }
0x84: {  	_ =	shalt  }
0x85: {  	_ =	shalt  }
0x86: {  	_ =	shalt  }
0x87: {  	_ =	shalt  }
.Lfunc_end0:
.L_simem_size_0:
called_computation_lowered:
.L_overlay_start_0:
0x88: {  	s2 =	sld [smem:$0x3FD9]  }
0x89: {  	s3 =	sld [smem:$0x3FFE];
	_ =	sdelay $0x1  }
0x8a: {  	s1 =	srdreg.scid  }
0x8b: {  	s0 =	sand.u32 $0x1, s1  }
0x8c: {  	s14 =	sshll.u32 s0, $0xA;
	s2 =	sadd.s32 s3, s2  }
0x8d: {  	s2 =	sadd.s32 s2, s14  }
0x8e: {  	[smem:$0x3FC4] =	sst s2  }
0x8f: {  	_ = 	snop  }
0x90: {  	s2 =	sld [smem:$0x3FD0];
	_ =	sdelay $0x2  }
0x91: {  	s4 =	simm.s32 $0xA;
	s5 =	simm.s32 $0x10;
	s15 =	sld [smem:$0x3FC8]  }
0x92: {  	[smem:s5], [sflag:s4] =	dma.local [hbm:s2], $0x1  }
0x93: {  	_ =	swait.eq [sflag:s4], $0x1  }
0x94: {  	s16 =	sld [smem:$0x10];
	[sflag:s4] =	ssyncset.done $0x0  }
0x95: {  	s17 =	sld [smem:$0x11];
	[sflag:s4] =	ssyncadd.s32 $0xFFFFFFFF  }
0x96: {  	s18 =	sld [smem:$0x13];
	(tm) =	ssettm $0x1  }
0x97: {  	s6 =	sld [smem:$0x3FFB];
	_ =	sdelay $0x3  }
0x98: {  	_ =	strace s6  }
0x99: {  	s6 =	sld [smem:$0x3FFC];
	_ =	sdelay $0x3  }
0x9a: {  	_ =	strace s6  }
0x9b: {  	s6 =	sld [smem:$0x3FFD];
	_ =	sdelay $0x3  }
0x9c: {  	_ =	strace s6  }
0x9d: {  	_ =	strace $0x8FFFFFFF  }
0x9e: {  	s19 =	sld [smem:$0x3FDB];
	_ =	sdelay $0x1  }
0x9f: {  	s7 =	simm.s32 $_scs_section_size  }
0xa0: {  	s8 =	simm.s32 $_size__tile_overlayer_lowered;
	s9 =	simm.s32 $_tile_overlayer_lowered  }
0xa1: {  	s22 =	simm.s32 $0x1BFF;
	s21 =	sshll.u32 s9, $0x1;
	s6 =	sadd.s32 s7, s19  }
0xa2: {  	s10 =	simm.s32 $0x0;
	s20 =	sshll.u32 s8, $0x1;
	s8 =	sadd.s32 s21, s6  }
0xa3: {  	[timem:s10], [sflag:s22] =	dma.local [hbm:s8], s20  }
0xa4: {  	_ =	swait.ge [sflag:s22], s20  }
0xa5: {  	s7 =	ssub.s32 $0x0, s20;
	[sflag:s22] =	ssyncset.done $0x0  }
0xa6: {  	[sflag:s22] =	ssyncadd.s32 s7;
	_ =	sdelay $0x1  }
0xa7: {  	s23 =	simm.s32 $0x1B8B  }
0xa8: {  	_ =	swait.ge [sflag:s23], $0x1  }
0xa9: {  	[sflag:s23] =	ssyncset.done $0x0  }
0xaa: {  	s25 =	simm.s32 $0x1B8E;
	s24 =	sld [smem:$0x3FFE];
	[sflag:s23] =	ssyncadd.s32 $0xFFFFFFFF  }
0xab: {  	s26 =	simm.s32 $execute0_lowered;
	[smem:$0x3FD2] =	sst s25  }
0xac: {  	s8 =	sshll.u32 s26, $0x1;
	_ =	strace $0x80000046;
	[dreg:$0x1] =	wrdreg $0xFFFFFFFF  }
0xad: {  	s28 =	simm.s32 $_size_execute0_lowered;
	s6 =	sadd.s32 s6, s8;
	[dreg:$0x0] =	wrdreg $0x0  }
0xae: {  	s8 =	sshll.u32 s28, $0x1;
	[dreg:$0x2] =	wrdreg s6  }
0xaf: {  	[dreg:$0x3] =	wrdreg s8  }
0xb0: {  	[dreg:$0x4] =	wrdreg $0xC0  }
0xb1: {  	_ =	task [dreg:s10], $0x5FFFF  }
0xb2: {  	[dreg:$0x1] =	wrdreg $0xFFFFFFFF  }
0xb3: {  	[dreg:$0x0] =	wrdreg $0x60  }
0xb4: {  	[dreg:$0x2] =	wrdreg s24  }
0xb5: {  	[dreg:$0x3] =	wrdreg s15  }
0xb6: {  	[dreg:$0x4] =	wrdreg s18  }
0xb7: {  	[dreg:$0x5] =	wrdreg s17  }
0xb8: {  	[dreg:$0x6] =	wrdreg s16  }
0xb9: {  	[dreg:$0x7] =	wrdreg $0x9  }
0xba: {  	_ =	task.clear_ibuf [dreg:s10], $0x8FFFF;
	_ =	strace $0x90000046  }
0xbb: {  	s29 =	simm.s32 $0x9;
	_ =	strace $0x80000048  }
0xbc: {  	_ =	swait.ge [sflag:s29], $0x1  }
0xbd: {  	[sflag:s29] =	ssyncadd.s32 $0xFFFFFFFF  }
0xbe: {  	_ =	strace $0x90000048  }
0xbf: {  	_ =	sfence  }
0xc0: {  	s30 =	sld [smem:$0x0];
	_ =	sdelay $0x2  }
0xc1: {  	s31 =	sshll.u32 s1, $0xD;
	s1 =	sshrl.u32 s1, $0x2  }
0xc2: {  	s3 =	sand.u32 $0x4000, s31;
	s1 =	sadd.s32 s1, s30  }
0xc3: {  	s0 =	sor.u32 s3, s0;
	s1 =	sshll.u32 s1, $0x11  }
0xc4: {  	s0 =	sor.u32 s1, s0  }
0xc5: {  	s0 =	sadd.s32 $0x8F2B, s0  }
0xc6: {  	[sflag:s0] =	ssyncadd.remote.s32 $0x1  }
0xc7: {  	_ =	sfence.sel $0xFFFF  }
0xc8: {  	[dreg:$0x0] =	wrdreg $0xFFFFFFFF;
	(pc) =	sbr.abs _section_cstart, $3  }
0xc9: {  	[dreg:$0x1] =	wrdreg $0xFFFFFFFF  }
0xca: {  	_ =	task.clear_ibuf [dreg:s10], $0x2FFFF;
	_ =	strace $0x9FFFFFFF  }
0xcb: {  	(tm) =	ssettm $0x7FFFFFFF  }
tec
execute0_lowered:
.L_overlay_start_1:
0x0: {  	(tag) =	ssettag $0x1  }
0x1: {  	s0 =	rddreg [dreg:$0x0]  }
0x2: {  	s2 =	rddreg [dreg:$0x1]  }
0x3: {  	s1 =	rddreg [dreg:$0x2]  }
0x4: {  	s14 =	rddreg [dreg:$0x3]  }
0x5: {  	s5 =	srdreg.scid;
	s6 =	stileid.u32;
	s4 =	simm.s32 $0x0  }
0x6: {  	s5 =	sand.u32 $0x1, s5;
	s6 =	sshll.u32 s6, $0x1;
	[smem:$0x7FF] =	sst s4  }
0x7: {  	s3 =	rddreg [dreg:$0x4];
	s6 =	sor.u32 s5, s6;
	_ =	strace $0x80000047  }
0x8: {  	s7 =	ssub.s32 $0x2, s5;
	s5 =	sadd.s32 $0x28E00, s0;
	s8 =	smul.u32 $0x2780, s6  }
0x9: {  	s0 =	sadd.s32 $0xE00, s0;
	s9 =	sshrl.u32 s7, $0x1;
	s17 =	smul.u32 $0x140, s6  }
0xa: {  	p0 =	seq.s32 s6, $0x1F;
	s11 =	smul.u32 $0x1400, s6;
	s16 =	ssub.s32 s7, s9  }
0xb: {  	s9 =	simm.s32 $0x0;
	s10 =	smin.u32 s8, $0x4BA80;
	s12 =	sshrl.u32 s17, $0x3  }
0xc: {  	s6 =	sadd.s32 s0, s11;
	s9 =	simm.s32 @!p0 $0x50;
	s18 =	sor.u32 $0x10, s17  }
0xd: {  	s19 =	sor.u32 $0x20, s17;
	s20 =	sor.u32 $0x30, s17;
	s21 =	sadd.s32 $0x40, s17  }
0xe: {  	s11 =	simm.s32 $0x0;
	s16 =	smax.u32 s16, $0x1;
	s15 =	sshrl.u32 s10, $0x2  }
0xf: {  	v19 =	vlaneseq.u32;
	[dreg:$0x7] =	wrdreg s6;
	s22 =	sadd.s32 s17, s9;
	s11 =	simm.s32 @!p0 $0xA0  }
0x10: {  	v1 =	vor.u32 s18, v19;
	s18 =	simm.s32 $0xCA00;
	v2 =	vor.u32 s19, v19;
	v3 =	vor.u32 s20, v19;
	s19 =	simm.s32 $0xC600;
	s20 =	simm.s32 $0xF200  }
0x11: {  	v4 =	vor.u32 s21, v19;
	s21 =	simm.s32 $0xC680;
	s2 =	sadd.s32 s2, s15;
	s9 =	sshll.u32 s22, $0x4  }
0x12: {  	s10 =	sshrl.u32 s22, $0x3;
	s25 =	sadd.s32 s17, s11;
	s23 =	sadd.s32 $0x10, s22  }
0x13: {  	s14 =	sadd.s32 s14, s15;
	s24 =	sor.u32 $0x20, s22;
	s26 =	sadd.s32 $0x30, s22  }
0x14: {  	s28 =	sadd.s32 $0x40, s22;
	v5 =	vor.u32 s22, v19;
	s22 =	simm.s32 $0x11A00;
	[dreg:$0x6] =	wrdreg s2  }
0x15: {  	s2 =	sadd.s32 s5, s12;
	s9 =	sadd.s32 s0, s9;
	s12 =	simm.s32 $0x0  }
0x16: {  	s10 =	sadd.s32 s5, s10;
	s11 =	sshll.u32 s25, $0x4;
	s13 =	sshrl.u32 s25, $0x3  }
0x17: {  	s30 =	sor.u32 $0x10, s25;
	s31 =	sadd.s32 $0x20, s25;
	s7 =	sadd.s32 $0x40, s25  }
0x18: {  	v6 =	vor.u32 s23, v19;
	v7 =	vor.u32 s24, v19;
	s23 =	simm.s32 $0xC700;
	s24 =	simm.s32 $0x14200;
	v8 =	vor.u32 s26, v19;
	s26 =	simm.s32 $0x3  }
0x19: {  	v9 =	vor.u32 s28, v19;
	s28 =	simm.s32 $0x50;
	[dreg:$0x8] =	wrdreg s2;
	s12 =	simm.s32 @!p0 $0xF0  }
0x1a: {  	s11 =	sadd.s32 s0, s11;
	s13 =	sadd.s32 s5, s13;
	s2 =	sadd.s32 $0x30, s25  }
0x1b: {  	v10 =	vor.u32 s25, v19;
	[dreg:$0x9] =	wrdreg s7;
	s25 =	simm.s32 $0xC780;
	v11 =	vor.u32 s30, v19;
	s30 =	simm.s32 $0x4  }
0x1c: {  	v0 =	vor.u32 s17, v19;
	v12 =	vor.u32 s31, v19;
	s31 =	simm.s32 $0x0;
	s29 =	sadd.s32 s17, s12;
	s17 =	rddreg [dreg:$0x9]  }
0x1d: {  	v13 =	vor.u32 s2, v19;
	s2 =	simm.s32 $0x1;
	s12 =	sshll.u32 s29, $0x4;
	s8 =	sadd.s32 $0x10, s29  }
0x1e: {  	s15 =	sshrl.u32 s29, $0x3;
	s6 =	sadd.s32 $0x20, s29;
	[dreg:$0xa] =	wrdreg s8  }
0x1f: {  	s7 =	sadd.s32 $0x30, s29;
	v14 =	vor.u32 s17, v19;
	v15 =	vor.u32 s29, v19;
	s8 =	sadd.s32 $0x40, s29;
	v17 =	vor.u32 s6, v19;
	s29 =	rddreg [dreg:$0xa]  }
0x20: {  	s17 =	simm.s32 $0x2;
	s12 =	sadd.s32 s0, s12;
	s15 =	sadd.s32 s5, s15;
	v18 =	vor.u32 s7, v19;
	v16 =	vor.u32 s29, v19;
	v19 =	vor.u32 s8, v19  }
.LBB2_1:
0x21: {  	[tilespmem:s4], [sflag:$0x1] =	stream.linear.gather [hbm4b:s5+s4], $0x2800, $0x38;
	[tilespmem:$0x16A00] =	vst v63  }
0x22: {  	s0 =	rddreg [dreg:$0x6];
	s6 =	simm.s32 $0x2800  }
0x23: {  	[tilespmem:s6], [sflag:$0x2] =	stream.linear.gather [hbm4b:s0+s4], $0x4F00, $0x38;
	[tilespmem:$0x16A00] =	vst v63  }
0x24: {  	s6 =	rddreg [dreg:$0x7]  }
0x25: {  	[tilespmem:s18], [sflag:$0x3] =	stream.linear.gather [hbm4b:s6+s4], $0x2800, $0x38;
	[tilespmem:$0x16A00] =	vst v63  }
0x26: {  	s7 =	rddreg [dreg:$0x8]  }
0x27: {  	[tilespmem:s19], [sflag:$0x3] =	stream.linear.gather [hbm4b:s7+s4], $0x50, $0x38;
	[tilespmem:$0x16A00] =	vst v63  }
0x28: {  	[tilespmem:$0xC800] =	vst v0  }
0x29: {  	[tilespmem:$0xC810] =	vst v1  }
0x2a: {  	[tilespmem:$0xC820] =	vst v2  }
0x2b: {  	[tilespmem:$0xC830] =	vst v3  }
0x2c: {  	[tilespmem:$0xC840] =	vst v4  }
0x2d: {  	[tilespmem:s20], [sflag:$0x3] =	stream.linear.gather [hbm4b:s9+s4], $0x2800, $0x38;
	[tilespmem:$0x16A00] =	vst v63  }
0x2e: {  	_ = 	snop  }
0x2f: {  	[tilespmem:s21], [sflag:$0x3] =	stream.linear.gather [hbm4b:s10+s4], $0x50, $0x38;
	[tilespmem:$0x16A00] =	vst v63  }
0x30: {  	[tilespmem:$0xC880] =	vst v5  }
0x31: {  	[tilespmem:$0xC890] =	vst v6  }
0x32: {  	[tilespmem:$0xC8A0] =	vst v7  }
0x33: {  	[tilespmem:$0xC8B0] =	vst v8  }
0x34: {  	[tilespmem:$0xC8C0] =	vst v9  }
0x35: {  	[tilespmem:s22], [sflag:$0x3] =	stream.linear.gather [hbm4b:s11+s4], $0x2800, $0x38;
	[tilespmem:$0x16A00] =	vst v63  }
0x36: {  	_ = 	snop  }
0x37: {  	[tilespmem:s23], [sflag:$0x3] =	stream.linear.gather [hbm4b:s13+s4], $0x50, $0x38;
	[tilespmem:$0x16A00] =	vst v63  }
0x38: {  	[tilespmem:$0xC900] =	vst v10  }
0x39: {  	[tilespmem:$0xC910] =	vst v11  }
0x3a: {  	[tilespmem:$0xC920] =	vst v12  }
0x3b: {  	[tilespmem:$0xC930] =	vst v13  }
0x3c: {  	[tilespmem:$0xC940] =	vst v14  }
0x3d: {  	[tilespmem:s24], [sflag:$0x3] =	stream.linear.gather [hbm4b:s12+s4], $0x2800, $0x38;
	[tilespmem:$0x16A00] =	vst v63  }
0x3e: {  	_ = 	snop  }
0x3f: {  	[tilespmem:s25], [sflag:$0x3] =	stream.linear.gather [hbm4b:s15+s4], $0x50, $0x38;
	[tilespmem:$0x16A00] =	vst v63  }
0x40: {  	[tilespmem:$0xC980] =	vst v15  }
0x41: {  	[tilespmem:$0xC990] =	vst v16  }
0x42: {  	[tilespmem:$0xC9A0] =	vst v17  }
0x43: {  	[tilespmem:$0xC9B0] =	vst v18  }
0x44: {  	[tilespmem:$0xC9C0] =	vst v19  }
0x45: {  	_ =	swait.ge [sflag:s26], $0x2800  }
0x46: {  	[sflag:s26] =	ssyncset.done $0x0  }
0x47: {  	[sflag:s26] =	ssyncadd.s32 $0xFFFFD800  }
0x48: {  	_ =	swait.ge [sflag:s26], $0x50  }
0x49: {  	[sflag:s26] =	ssyncset.done $0x0  }
0x4a: {  	[sflag:s26] =	ssyncadd.s32 $0xFFFFFFB0  }
0x4b: {  	_ =	swait.ge [sflag:s26], $0x2800  }
0x4c: {  	[sflag:s26] =	ssyncset.done $0x0  }
0x4d: {  	[sflag:s26] =	ssyncadd.s32 $0xFFFFD800  }
0x4e: {  	_ =	swait.ge [sflag:s26], $0x50  }
0x4f: {  	[sflag:s26] =	ssyncset.done $0x0  }
0x50: {  	[sflag:s26] =	ssyncadd.s32 $0xFFFFFFB0  }
0x51: {  	_ =	swait.ge [sflag:s26], $0x2800  }
0x52: {  	[sflag:s26] =	ssyncset.done $0x0  }
0x53: {  	[sflag:s26] =	ssyncadd.s32 $0xFFFFD800  }
0x54: {  	_ =	swait.ge [sflag:s26], $0x50  }
0x55: {  	[sflag:s26] =	ssyncset.done $0x0  }
0x56: {  	[sflag:s26] =	ssyncadd.s32 $0xFFFFFFB0  }
0x57: {  	_ =	swait.ge [sflag:s26], $0x2800  }
0x58: {  	[sflag:s26] =	ssyncset.done $0x0  }
0x59: {  	[sflag:s26] =	ssyncadd.s32 $0xFFFFD800  }
0x5a: {  	_ =	swait.ge [sflag:s26], $0x50  }
0x5b: {  	[sflag:s26] =	ssyncset.done $0x0  }
0x5c: {  	s8 =	simm.s32 $0xC800;
	[sflag:s26] =	ssyncadd.s32 $0xFFFFFFB0  }
0x5d: {  	[hbm4b:s1+s28] =	stream.indirect.scatter [tilespmem:s8], [sflag:$0x4], $0x1, s19, s28, $0xb8;
	[tilespmem:$0x16A00] =	vst v63  }
0x5e: {  	_ = 	snop  }
0x5f: {  	[hbm4b:s3+s28] =	stream.indirect.scatter [tilespmem:s18], [sflag:$0x4], $0x80, s19, s28, $0xb8;
	[tilespmem:$0x16A00] =	vst v63  }
0x60: {  	s6 =	simm.s32 $0xC880  }
0x61: {  	[hbm4b:s1+s28] =	stream.indirect.scatter [tilespmem:s6], [sflag:$0x4], $0x1, s21, s28, $0xb8;
	[tilespmem:$0x16A00] =	vst v63  }
0x62: {  	_ = 	snop  }
0x63: {  	[hbm4b:s3+s28] =	stream.indirect.scatter [tilespmem:s20], [sflag:$0x4], $0x80, s21, s28, $0xb8;
	[tilespmem:$0x16A00] =	vst v63  }
0x64: {  	s7 =	simm.s32 $0xC900  }
0x65: {  	[hbm4b:s1+s28] =	stream.indirect.scatter [tilespmem:s7], [sflag:$0x4], $0x1, s23, s28, $0xb8;
	[tilespmem:$0x16A00] =	vst v63  }
0x66: {  	_ = 	snop  }
0x67: {  	[hbm4b:s3+s28] =	stream.indirect.scatter [tilespmem:s22], [sflag:$0x4], $0x80, s23, s28, $0xb8;
	[tilespmem:$0x16A00] =	vst v63  }
0x68: {  	s8 =	simm.s32 $0xC980  }
0x69: {  	[hbm4b:s1+s28] =	stream.indirect.scatter [tilespmem:s8], [sflag:$0x4], $0x1, s25, s28, $0xb8;
	[tilespmem:$0x16A00] =	vst v63  }
0x6a: {  	_ = 	snop  }
0x6b: {  	[hbm4b:s3+s28] =	stream.indirect.scatter [tilespmem:s24], [sflag:$0x4], $0x80, s25, s28, $0xb8;
	[tilespmem:$0x16A00] =	vst v63  }
0x6c: {  	_ =	swait.ge [sflag:s2], $0x2800  }
0x6d: {  	[sflag:s2] =	ssyncset.done $0x0  }
0x6e: {  	[sflag:s2] =	ssyncadd.s32 $0xFFFFD800  }
0x6f: {  	_ =	swait.ge [sflag:s17], $0x4F00  }
0x70: {  	p0 =	por $0x0, $0x0;
	[sflag:s17] =	ssyncset.done $0x0  }
0x71: {  	s29 =	simm.s32 $0x0;
	s0 =	simm.s32 $0x0;
	[sflag:s17] =	ssyncadd.s32 $0xFFFFB100  }
.LBB2_2:
0x72: {  	s6 =	sand.u32 $0x40, s29;
	s7 =	sand.u32 $0x7F00, s0  }
0x73: {  	s6 =	sor.u32 s6, s7  }
0x74: {  	v20 =	vld [tilespmem:s6+$0x2800];
	_ =	sdelay $0x7  }
0x75: {  	v20 =	vld.idx.msk [tilespmem:v20+s4+$0x0], $0xffff  }
0x76: {  	s7 =	simm.s32 $0x1  }
0x77: {  	s7 =	simm.s32 @!p0 $0x0  }
0x78: {  	s7 =	sshll.u32 s7, $0x6  }
0x79: {  	s7 =	sadd.s32 s7, s0  }
0x7a: {  	s8 =	sor.u32 $0x80, s7;
	[tilespmem:s6+$0x7700] =	vst v20  }
0x7b: {  	v20 =	vld [tilespmem:s8+$0x2800];
	_ =	sdelay $0x7  }
0x7c: {  	v20 =	vld.idx.msk [tilespmem:v20+s4+$0x0], $0xffff;
	_ =	sdelay $0x4  }
0x7d: {  	[tilespmem:s8+$0x7700] =	vst v20  }
0x7e: {  	v20 =	vld [tilespmem:s6+$0x2810];
	_ =	sdelay $0x7  }
0x7f: {  	v20 =	vld.idx.msk [tilespmem:v20+s4+$0x0], $0xffff;
	_ =	sdelay $0x3  }
0x80: {  	s8 =	sadd.s32 $0x10, s7  }
0x81: {  	s8 =	sor.u32 $0x80, s8;
	[tilespmem:s6+$0x7710] =	vst v20  }
0x82: {  	v20 =	vld [tilespmem:s8+$0x2800];
	_ =	sdelay $0x7  }
0x83: {  	v20 =	vld.idx.msk [tilespmem:v20+s4+$0x0], $0xffff;
	_ =	sdelay $0x4  }
0x84: {  	[tilespmem:s8+$0x7700] =	vst v20  }
0x85: {  	v20 =	vld [tilespmem:s6+$0x2820];
	_ =	sdelay $0x7  }
0x86: {  	v20 =	vld.idx.msk [tilespmem:v20+s4+$0x0], $0xffff;
	_ =	sdelay $0x3  }
0x87: {  	s8 =	sadd.s32 $0x20, s7  }
0x88: {  	s8 =	sor.u32 $0x80, s8;
	[tilespmem:s6+$0x7720] =	vst v20  }
0x89: {  	v20 =	vld [tilespmem:s8+$0x2800];
	_ =	sdelay $0x7  }
0x8a: {  	v20 =	vld.idx.msk [tilespmem:v20+s4+$0x0], $0xffff;
	_ =	sdelay $0x4  }
0x8b: {  	[tilespmem:s8+$0x7700] =	vst v20  }
0x8c: {  	v20 =	vld [tilespmem:s6+$0x2830];
	_ =	sdelay $0x7  }
0x8d: {  	v20 =	vld.idx.msk [tilespmem:v20+s4+$0x0], $0xffff;
	_ =	sdelay $0x3  }
0x8e: {  	s7 =	sadd.s32 $0x30, s7  }
0x8f: {  	s8 =	sor.u32 $0x80, s7;
	[tilespmem:s6+$0x7730] =	vst v20  }
0x90: {  	v20 =	vld [tilespmem:s8+$0x2800];
	_ =	sdelay $0x7  }
0x91: {  	p1 =	sne.s32 s29, $0x2740;
	v20 =	vld.idx.msk [tilespmem:v20+s4+$0x0], $0xffff  }
.Ltmp0:
0x92: {  	_ = 	snop;
	(pc) =	sbr.rel @p1 .LBB2_2-.Ltmp0, $2  }
0x93: {  	_ =	sdelay $0x2  }
0x94: {  	s29 =	sadd.s32 $0x40, s29;
	p0 =	por !p0, !p0;
	s0 =	sadd.s32 $0x80, s0;
	[tilespmem:s8+$0x7700] =	vst v20  }
0x95: {  	s0 =	simm.s32 $0x7700  }
0x96: {  	[hbm4b:s14+s4] =	stream.linear.scatter [tilespmem:s0], [sflag:$0x2], $0x4F00, $0x38;
	[tilespmem:$0x16A00] =	vst v63  }
0x97: {  	_ =	swait.ge [sflag:s30], $0x50  }
0x98: {  	[sflag:s30] =	ssyncset.done $0x0  }
0x99: {  	[sflag:s30] =	ssyncadd.s32 $0xFFFFFFB0  }
0x9a: {  	_ =	swait.ge [sflag:s30], $0x2800  }
0x9b: {  	[sflag:s30] =	ssyncset.done $0x0  }
0x9c: {  	[sflag:s30] =	ssyncadd.s32 $0xFFFFD800  }
0x9d: {  	_ =	swait.ge [sflag:s30], $0x50  }
0x9e: {  	[sflag:s30] =	ssyncset.done $0x0  }
0x9f: {  	[sflag:s30] =	ssyncadd.s32 $0xFFFFFFB0  }
0xa0: {  	_ =	swait.ge [sflag:s30], $0x2800  }
0xa1: {  	[sflag:s30] =	ssyncset.done $0x0  }
0xa2: {  	[sflag:s30] =	ssyncadd.s32 $0xFFFFD800  }
0xa3: {  	_ =	swait.ge [sflag:s30], $0x50  }
0xa4: {  	[sflag:s30] =	ssyncset.done $0x0  }
0xa5: {  	[sflag:s30] =	ssyncadd.s32 $0xFFFFFFB0  }
0xa6: {  	_ =	swait.ge [sflag:s30], $0x2800  }
0xa7: {  	[sflag:s30] =	ssyncset.done $0x0  }
0xa8: {  	[sflag:s30] =	ssyncadd.s32 $0xFFFFD800  }
0xa9: {  	_ =	swait.ge [sflag:s30], $0x50  }
0xaa: {  	[sflag:s30] =	ssyncset.done $0x0  }
0xab: {  	s31 =	sadd.s32 $0x1, s31;
	[sflag:s30] =	ssyncadd.s32 $0xFFFFFFB0  }
0xac: {  	p0 =	sne.s32 s31, s16;
	_ =	swait.ge [sflag:s30], $0x2800  }
.Ltmp1:
0xad: {  	[sflag:s30] =	ssyncset.done $0x0;
	(pc) =	sbr.rel @p0 .LBB2_1-.Ltmp1, $4  }
0xae: {  	[sflag:s30] =	ssyncadd.s32 $0xFFFFD800  }
0xaf: {  	_ =	swait.ge [sflag:s17], $0x4F00  }
0xb0: {  	[sflag:s17] =	ssyncset.done $0x0  }
0xb1: {  	[sflag:s17] =	ssyncadd.s32 $0xFFFFB100  }
0xb2: {  	_ =	sfence.sel $0x180000  }
0xb3: {  	[bflag:$0x0] =	sbarrier.arrive $0xFFFF  }
0xb4: {  	_ =	strace $0x90000047  }
0xb5: {  	s0 =	stileid.u32;
	[bflag:$0x2] =	sbarrier.arrive $0xFFFF  }
0xb6: {  	p0 =	sne.s32 s0, $0x0;
	s0 =	rddreg [dreg:$0x5]  }
0xb7: {  	s0 =	sadd.s32 @!p0 $0x100000, s0  }
0xb8: {  	[sflag:s0] =	ssyncadd.tile.s32 @!p0 $0x1;
	_ =	shalt  }
.Lfunc_end2:
_tile_overlayer_lowered:
.L_overlay_start_2:
0xb9: {  	(tag) =	ssettag $0x2  }
0xba: {  	s0 =	rddreg [dreg:$0x0];
	s2 =	stileid.u32  }
0xbb: {  	s1 =	rddreg [dreg:$0x1];
	p0 =	sne.s32 s2, $0x0  }
0xbc: {  	s3 =	rddreg [dreg:$0x2];
	[bflag:$0x3] =	sbarrier.arrive $0xFFFF;
	s2 =	simm.s32 @!p0 $0x1C05  }
0xbd: {  	[timem:s3], [sflag:s2] =	dma.local @!p0 [hbm:s0], s1  }
0xbe: {  	s0 =	simm.s32 @!p0 $0x5  }
0xbf: {  	_ =	swait.ge @!p0 [sflag:s0], s1  }
0xc0: {  	s1 =	ssub.s32 @!p0 $0x0, s1;
	[sflag:s0] =	ssyncset.done @!p0 $0x0  }
0xc1: {  	[sflag:s0] =	ssyncadd.s32 @!p0 s1  }
0xc2: {  	[bflag:$0x3] =	sbarrier.arrive $0xFFFF  }
0xc3: {  	_ =	shalt  }

</sc_bundles>
